<compile_context>
chip_gen: v7x
topology: tpu7x:2x2x1
jax: 0.10.2.dev20260603
libtpu: 0.0.44.dev20260713+nightly
codegen_flags: <defaults>
</compile_context>

<pallas_src>
import functools

import jax
import jax.numpy as jnp
from jax import lax
from jax.experimental import pallas as pl
from jax.experimental.pallas import tpu as pltpu
from jax.experimental.pallas import tpu_sc as plsc

_NBUF = 8
_LAG = 4


@functools.cache
def _make_sc_gather(V, D, B0, L):
    info = plsc.get_sparse_core_info()
    NW = info.num_cores * info.num_subcores
    NC = info.num_cores
    assert B0 % NW == 0
    n_ch = B0 // NW
    assert n_ch % _NBUF == 0 and n_ch >= _NBUF
    n_grp = n_ch // _NBUF

    mesh = plsc.VectorSubcoreMesh(core_axis_name="c", subcore_axis_name="s")

    @functools.partial(
        pl.kernel,
        mesh=mesh,
        out_type=jax.ShapeDtypeStruct((B0, L, D), jnp.float32),
        scratch_types=[
            pltpu.VMEM((n_ch, L), jnp.int32),
            pltpu.VMEM((_NBUF, L, D), jnp.float32),
            pltpu.SemaphoreType.DMA,
        ]
        + [pltpu.SemaphoreType.DMA] * _NBUF,
    )
    def k(idx_hbm, table_hbm, out_hbm, idx_v, rows_v, gsem, *osems):
        wid = lax.axis_index("s") * NC + lax.axis_index("c")
        base = wid * n_ch
        pltpu.sync_copy(idx_hbm.at[pl.ds(base, n_ch)], idx_v)

        def start_gather(j, b):
            pltpu.async_copy(table_hbm.at[idx_v.at[j]], rows_v.at[b], gsem)

        def wait_gather(b):
            pltpu.make_async_copy(
                table_hbm.at[idx_v.at[0]], rows_v.at[b], gsem
            ).wait()

        def start_out(j, b):
            pltpu.async_copy(rows_v.at[b], out_hbm.at[base + j], osems[b])

        def wait_out(b):
            pltpu.make_async_copy(
                rows_v.at[b], out_hbm.at[base], osems[b]
            ).wait()

        for b in range(_LAG):
            start_gather(b, b)

        def body(g, carry):
            for b in range(_NBUF):
                j = g * _NBUF + b
                if b < _LAG:
                    @pl.when(g >= 1)
                    def _():
                        wait_out(b)
                        start_gather(j, b)
                else:
                    @pl.when(g >= 1)
                    def _():
                        wait_out(b)
                    start_gather(j, b)
                bl = (b - _LAG) % _NBUF
                jl = j - _LAG
                if b >= _LAG:
                    wait_gather(bl)
                    start_out(jl, bl)
                else:
                    @pl.when(g >= 1)
                    def _():
                        wait_gather(bl)
                        start_out(jl, bl)
            return carry

        lax.fori_loop(0, n_grp, body, 0, unroll=False)

        for t in range(_LAG):
            j = n_ch - _LAG + t
            b = j % _NBUF
            wait_gather(b)
            start_out(j, b)
        for b in range(_NBUF):
            wait_out(b)

    return k


def kernel(token_ids, weight):
    B0, L = token_ids.shape
    V, D = weight.shape
    idx = token_ids.astype(jnp.int32)
    return _make_sc_gather(V, D, B0, L)(idx, weight)

# --- scband reference (transcript-rebuilt; emitter-appended) ---
"""Pipeline reference for scband-embedding-3075196584461 (READ-ONLY COPY).

The authoritative reference and input builder live on the scoring server;
editing this copy changes nothing except your own understanding.
"""

import jax, jax.numpy as jnp
import numpy as np

NUM_EMBEDDINGS = 100000
EMBEDDING_DIM = 128

def setup_inputs(seed: int = 0) -> dict:
    key = jax.random.key(seed)
    k1, k2 = jax.random.split(key)
    token_ids = jax.random.randint(k1, (4096, 50), 0, NUM_EMBEDDINGS, dtype=jnp.int64 if jax.config.jax_enable_x64 else jnp.int32)
    # truncated normal init in [-3, 3], mean 0, std 1 (matches torch trunc_normal_)
    weight = jax.random.truncated_normal(k2, -3.0, 3.0, (NUM_EMBEDDINGS, EMBEDDING_DIM), dtype=jnp.float32)
    return {"token_ids": token_ids, "weight": weight}

def reference(token_ids, weight):
    # Embedding lookup: weight[token_ids] -> [B, L, D]
    return jnp.take(weight, token_ids, axis=0)

if __name__ == "__main__":
    import jax
    _d = setup_inputs()
    print(jax.jit(kernel)(*tuple(_d.values())))

</pallas_src>

<mosaic_0001>
#map = affine_map<(d0, d1) -> (0, 0)>
#map1 = affine_map<(d0, d1) -> (0, 0, 0)>
module attributes {stable_mosaic.version = 14 : i64} {
  func.func @k(%arg0: i32, %arg1: i32, %arg2: memref<4096x50xi32, #tpu.memory_space<hbm>>, %arg3: memref<100000x128xf32, #tpu.memory_space<hbm>>, %arg4: memref<4096x50x128xf32, #tpu.memory_space<hbm>>, %arg5: memref<128x50xi32, #tpu.memory_space<vmem>>, %arg6: memref<8x50x128xf32, #tpu.memory_space<vmem>>, %arg7: memref<!tpu.dma_semaphore, #tpu.memory_space<semaphore_mem>>, %arg8: memref<!tpu.dma_semaphore, #tpu.memory_space<semaphore_mem>>, %arg9: memref<!tpu.dma_semaphore, #tpu.memory_space<semaphore_mem>>, %arg10: memref<!tpu.dma_semaphore, #tpu.memory_space<semaphore_mem>>, %arg11: memref<!tpu.dma_semaphore, #tpu.memory_space<semaphore_mem>>, %arg12: memref<!tpu.dma_semaphore, #tpu.memory_space<semaphore_mem>>, %arg13: memref<!tpu.dma_semaphore, #tpu.memory_space<semaphore_mem>>, %arg14: memref<!tpu.dma_semaphore, #tpu.memory_space<semaphore_mem>>, %arg15: memref<!tpu.dma_semaphore, #tpu.memory_space<semaphore_mem>>) attributes {dimension_semantics = [#tpu.dimension_semantics<core_parallel>, #tpu.dimension_semantics<subcore_parallel>], iteration_bounds = array<i64: 2, 16>, scalar_prefetch = 0 : i64, scratch_operands = 11 : i64, tpu.core_type = #tpu.core_type<sc_vector_subcore>, window_params = [{transform_indices = #map}, {transform_indices = #map}, {transform_indices = #map1}]} {
    %mul3A = arith.constant 2 : i32
    %mul3A_0 = arith.muli %arg1, %mul3A : i32
    %add3A = arith.addi %mul3A_0, %arg0 : i32
    %mul3A_1 = arith.constant 128 : i32
    %mul3A_2 = arith.muli %add3A, %mul3A_1 : i32
    "tpu.region"() ({
      %run_scoped3A = tpu.sem_alloc : memref<!tpu.dma_semaphore, #tpu.memory_space<semaphore_mem>>
      %dma_start3A_314 = arith.constant 0 : i32
      %dma_start3A_315 = tpu.memref_slice %arg2[%mul3A_2, %dma_start3A_314] : memref<4096x50xi32, #tpu.memory_space<hbm>> -> memref<128x50xi32, #tpu.memory_space<hbm>>
      %dma_start3A_316 = arith.constant 0 : i32
      %dma_start3A_317 = tpu.memref_slice %arg2[%mul3A_2, %dma_start3A_316] : memref<4096x50xi32, #tpu.memory_space<hbm>> -> memref<128x50xi32, #tpu.memory_space<hbm>>
      tpu.enqueue_dma source(%dma_start3A_317 : memref<128x50xi32, #tpu.memory_space<hbm>>) target(%arg5 : memref<128x50xi32, #tpu.memory_space<vmem>>) target_semaphore(%run_scoped3A : memref<!tpu.dma_semaphore, #tpu.memory_space<semaphore_mem>>)
      %dma_wait3A_318 = arith.constant 0 : i32
      %dma_wait3A_319 = tpu.memref_slice %arg2[%mul3A_2, %dma_wait3A_318] : memref<4096x50xi32, #tpu.memory_space<hbm>> -> memref<128x50xi32, #tpu.memory_space<hbm>>
      %dma_wait3A_320 = arith.constant 0 : i32
      %dma_wait3A_321 = tpu.memref_slice %arg2[%mul3A_2, %dma_wait3A_320] : memref<4096x50xi32, #tpu.memory_space<hbm>> -> memref<128x50xi32, #tpu.memory_space<hbm>>
      tpu.wait_dma2 semaphore(%run_scoped3A : memref<!tpu.dma_semaphore, #tpu.memory_space<semaphore_mem>>) src(%dma_wait3A_321 : memref<128x50xi32, #tpu.memory_space<hbm>>) dst(%arg5 : memref<128x50xi32, #tpu.memory_space<vmem>>)
      tpu.yield
    }) : () -> ()
    %dma_start3A = arith.constant 0 : i32
    %dma_start3A_3 = arith.constant 0 : i32
    %dma_start3A_4 = arith.constant 0 : i32
    %dma_start3A_5 = arith.constant 0 : i32
    %dma_start3A_6 = tpu.memref_slice %arg6[%dma_start3A_3, %dma_start3A_4, %dma_start3A_5] : memref<8x50x128xf32, #tpu.memory_space<vmem>> -> memref<1x50x128xf32, #tpu.memory_space<vmem>>
    %dma_start3A_7 = tpu.memref_squeeze %dma_start3A_6 : memref<1x50x128xf32, #tpu.memory_space<vmem>> -> memref<50x128xf32, #tpu.memory_space<vmem>>
    %dma_start3A_8 = arith.constant 0 : i32
    %dma_start3A_9 = tpu.memref_slice %arg5[%dma_start3A, %dma_start3A_8] : memref<128x50xi32, #tpu.memory_space<vmem>> -> memref<1x50xi32, #tpu.memory_space<vmem>>
    %dma_start3A_10 = tpu.memref_squeeze %dma_start3A_9 : memref<1x50xi32, #tpu.memory_space<vmem>> -> memref<50xi32, #tpu.memory_space<vmem>>
    %dma_start3A_11 = arith.constant 0 : i32
    %dma_start3A_12 = arith.constant 0 : i32
    %dma_start3A_13 = tpu.memref_slice %arg3[%dma_start3A_11, %dma_start3A_12] : memref<100000x128xf32, #tpu.memory_space<hbm>> -> memref<100000x128xf32, #tpu.memory_space<hbm>>
    tpu.enqueue_indirect_dma source(%dma_start3A_13 : memref<100000x128xf32, #tpu.memory_space<hbm>>) target(%dma_start3A_7 : memref<50x128xf32, #tpu.memory_space<vmem>>) offsets(%dma_start3A_10 : memref<50xi32, #tpu.memory_space<vmem>>) semaphore(%arg7 : memref<!tpu.dma_semaphore, #tpu.memory_space<semaphore_mem>>)
    %dma_start3A_14 = arith.constant 1 : i32
    %dma_start3A_15 = arith.constant 1 : i32
    %dma_start3A_16 = arith.constant 0 : i32
    %dma_start3A_17 = arith.constant 0 : i32
    %dma_start3A_18 = tpu.memref_slice %arg6[%dma_start3A_15, %dma_start3A_16, %dma_start3A_17] : memref<8x50x128xf32, #tpu.memory_space<vmem>> -> memref<1x50x128xf32, #tpu.memory_space<vmem>>
    %dma_start3A_19 = tpu.memref_squeeze %dma_start3A_18 : memref<1x50x128xf32, #tpu.memory_space<vmem>> -> memref<50x128xf32, #tpu.memory_space<vmem>>
    %dma_start3A_20 = arith.constant 0 : i32
    %dma_start3A_21 = tpu.memref_slice %arg5[%dma_start3A_14, %dma_start3A_20] : memref<128x50xi32, #tpu.memory_space<vmem>> -> memref<1x50xi32, #tpu.memory_space<vmem>>
    %dma_start3A_22 = tpu.memref_squeeze %dma_start3A_21 : memref<1x50xi32, #tpu.memory_space<vmem>> -> memref<50xi32, #tpu.memory_space<vmem>>
    %dma_start3A_23 = arith.constant 0 : i32
    %dma_start3A_24 = arith.constant 0 : i32
    %dma_start3A_25 = tpu.memref_slice %arg3[%dma_start3A_23, %dma_start3A_24] : memref<100000x128xf32, #tpu.memory_space<hbm>> -> memref<100000x128xf32, #tpu.memory_space<hbm>>
    tpu.enqueue_indirect_dma source(%dma_start3A_25 : memref<100000x128xf32, #tpu.memory_space<hbm>>) target(%dma_start3A_19 : memref<50x128xf32, #tpu.memory_space<vmem>>) offsets(%dma_start3A_22 : memref<50xi32, #tpu.memory_space<vmem>>) semaphore(%arg7 : memref<!tpu.dma_semaphore, #tpu.memory_space<semaphore_mem>>)
    %dma_start3A_26 = arith.constant 2 : i32
    %dma_start3A_27 = arith.constant 2 : i32
    %dma_start3A_28 = arith.constant 0 : i32
    %dma_start3A_29 = arith.constant 0 : i32
    %dma_start3A_30 = tpu.memref_slice %arg6[%dma_start3A_27, %dma_start3A_28, %dma_start3A_29] : memref<8x50x128xf32, #tpu.memory_space<vmem>> -> memref<1x50x128xf32, #tpu.memory_space<vmem>>
    %dma_start3A_31 = tpu.memref_squeeze %dma_start3A_30 : memref<1x50x128xf32, #tpu.memory_space<vmem>> -> memref<50x128xf32, #tpu.memory_space<vmem>>
    %dma_start3A_32 = arith.constant 0 : i32
    %dma_start3A_33 = tpu.memref_slice %arg5[%dma_start3A_26, %dma_start3A_32] : memref<128x50xi32, #tpu.memory_space<vmem>> -> memref<1x50xi32, #tpu.memory_space<vmem>>
    %dma_start3A_34 = tpu.memref_squeeze %dma_start3A_33 : memref<1x50xi32, #tpu.memory_space<vmem>> -> memref<50xi32, #tpu.memory_space<vmem>>
    %dma_start3A_35 = arith.constant 0 : i32
    %dma_start3A_36 = arith.constant 0 : i32
    %dma_start3A_37 = tpu.memref_slice %arg3[%dma_start3A_35, %dma_start3A_36] : memref<100000x128xf32, #tpu.memory_space<hbm>> -> memref<100000x128xf32, #tpu.memory_space<hbm>>
    tpu.enqueue_indirect_dma source(%dma_start3A_37 : memref<100000x128xf32, #tpu.memory_space<hbm>>) target(%dma_start3A_31 : memref<50x128xf32, #tpu.memory_space<vmem>>) offsets(%dma_start3A_34 : memref<50xi32, #tpu.memory_space<vmem>>) semaphore(%arg7 : memref<!tpu.dma_semaphore, #tpu.memory_space<semaphore_mem>>)
    %dma_start3A_38 = arith.constant 3 : i32
    %dma_start3A_39 = arith.constant 3 : i32
    %dma_start3A_40 = arith.constant 0 : i32
    %dma_start3A_41 = arith.constant 0 : i32
    %dma_start3A_42 = tpu.memref_slice %arg6[%dma_start3A_39, %dma_start3A_40, %dma_start3A_41] : memref<8x50x128xf32, #tpu.memory_space<vmem>> -> memref<1x50x128xf32, #tpu.memory_space<vmem>>
    %dma_start3A_43 = tpu.memref_squeeze %dma_start3A_42 : memref<1x50x128xf32, #tpu.memory_space<vmem>> -> memref<50x128xf32, #tpu.memory_space<vmem>>
    %dma_start3A_44 = arith.constant 0 : i32
    %dma_start3A_45 = tpu.memref_slice %arg5[%dma_start3A_38, %dma_start3A_44] : memref<128x50xi32, #tpu.memory_space<vmem>> -> memref<1x50xi32, #tpu.memory_space<vmem>>
    %dma_start3A_46 = tpu.memref_squeeze %dma_start3A_45 : memref<1x50xi32, #tpu.memory_space<vmem>> -> memref<50xi32, #tpu.memory_space<vmem>>
    %dma_start3A_47 = arith.constant 0 : i32
    %dma_start3A_48 = arith.constant 0 : i32
    %dma_start3A_49 = tpu.memref_slice %arg3[%dma_start3A_47, %dma_start3A_48] : memref<100000x128xf32, #tpu.memory_space<hbm>> -> memref<100000x128xf32, #tpu.memory_space<hbm>>
    tpu.enqueue_indirect_dma source(%dma_start3A_49 : memref<100000x128xf32, #tpu.memory_space<hbm>>) target(%dma_start3A_43 : memref<50x128xf32, #tpu.memory_space<vmem>>) offsets(%dma_start3A_46 : memref<50xi32, #tpu.memory_space<vmem>>) semaphore(%arg7 : memref<!tpu.dma_semaphore, #tpu.memory_space<semaphore_mem>>)
    %scan3A = arith.constant 0 : i32
    %scan3A_50 = arith.constant 0 : i32
    %scan3A_51 = arith.constant 16 : i32
    %scan3A_52 = arith.addi %scan3A_50, %scan3A_51 : i32
    %scan3A_53 = arith.constant 1 : i32
    scf.for %scan3A_314 = %scan3A_50 to %scan3A_52 step %scan3A_53  : i32 {
      %mul3A_315 = arith.constant 8 : i32
      %mul3A_316 = arith.muli %scan3A_314, %mul3A_315 : i32
      %add3A_317 = arith.constant 0 : i32
      %add3A_318 = arith.addi %mul3A_316, %add3A_317 : i32
      %ge3A = arith.constant 1 : i32
      %ge3A_319 = arith.cmpi sge, %scan3A_314, %ge3A : i32
      %convert_element_type3A = arith.extui %ge3A_319 : i1 to i32
      %cond3A = arith.constant 0 : i32
      %cond3A_320 = arith.cmpi ne, %convert_element_type3A, %cond3A : i32
      scf.if %cond3A_320 {
        %dma_wait3A_583 = arith.constant 0 : i32
        %dma_wait3A_584 = arith.constant 0 : i32
        %dma_wait3A_585 = arith.constant 0 : i32
        %dma_wait3A_586 = tpu.memref_slice %arg6[%dma_wait3A_583, %dma_wait3A_584, %dma_wait3A_585] : memref<8x50x128xf32, #tpu.memory_space<vmem>> -> memref<1x50x128xf32, #tpu.memory_space<vmem>>
        %dma_wait3A_587 = tpu.memref_squeeze %dma_wait3A_586 : memref<1x50x128xf32, #tpu.memory_space<vmem>> -> memref<50x128xf32, #tpu.memory_space<vmem>>
        %dma_wait3A_588 = arith.constant 0 : i32
        %dma_wait3A_589 = arith.constant 0 : i32
        %dma_wait3A_590 = tpu.memref_slice %arg4[%mul3A_2, %dma_wait3A_588, %dma_wait3A_589] : memref<4096x50x128xf32, #tpu.memory_space<hbm>> -> memref<1x50x128xf32, #tpu.memory_space<hbm>>
        %dma_wait3A_591 = tpu.memref_squeeze %dma_wait3A_590 : memref<1x50x128xf32, #tpu.memory_space<hbm>> -> memref<50x128xf32, #tpu.memory_space<hbm>>
        %dma_wait3A_592 = arith.constant 0 : i32
        %dma_wait3A_593 = arith.constant 0 : i32
        %dma_wait3A_594 = tpu.memref_slice %arg4[%mul3A_2, %dma_wait3A_592, %dma_wait3A_593] : memref<4096x50x128xf32, #tpu.memory_space<hbm>> -> memref<1x50x128xf32, #tpu.memory_space<hbm>>
        %dma_wait3A_595 = tpu.memref_squeeze %dma_wait3A_594 : memref<1x50x128xf32, #tpu.memory_space<hbm>> -> memref<50x128xf32, #tpu.memory_space<hbm>>
        %dma_wait3A_596 = arith.constant 0 : i32
        %dma_wait3A_597 = arith.constant 0 : i32
        %dma_wait3A_598 = tpu.memref_slice %arg6[%dma_wait3A_583, %dma_wait3A_596, %dma_wait3A_597] : memref<8x50x128xf32, #tpu.memory_space<vmem>> -> memref<1x50x128xf32, #tpu.memory_space<vmem>>
        %dma_wait3A_599 = tpu.memref_squeeze %dma_wait3A_598 : memref<1x50x128xf32, #tpu.memory_space<vmem>> -> memref<50x128xf32, #tpu.memory_space<vmem>>
        tpu.wait_dma2 semaphore(%arg8 : memref<!tpu.dma_semaphore, #tpu.memory_space<semaphore_mem>>) src(%dma_wait3A_599 : memref<50x128xf32, #tpu.memory_space<vmem>>) dst(%dma_wait3A_595 : memref<50x128xf32, #tpu.memory_space<hbm>>)
        %dma_start3A_600 = arith.constant 0 : i32
        %dma_start3A_601 = arith.constant 0 : i32
        %dma_start3A_602 = arith.constant 0 : i32
        %dma_start3A_603 = tpu.memref_slice %arg6[%dma_start3A_600, %dma_start3A_601, %dma_start3A_602] : memref<8x50x128xf32, #tpu.memory_space<vmem>> -> memref<1x50x128xf32, #tpu.memory_space<vmem>>
        %dma_start3A_604 = tpu.memref_squeeze %dma_start3A_603 : memref<1x50x128xf32, #tpu.memory_space<vmem>> -> memref<50x128xf32, #tpu.memory_space<vmem>>
        %dma_start3A_605 = arith.constant 0 : i32
        %dma_start3A_606 = tpu.memref_slice %arg5[%add3A_318, %dma_start3A_605] : memref<128x50xi32, #tpu.memory_space<vmem>> -> memref<1x50xi32, #tpu.memory_space<vmem>>
        %dma_start3A_607 = tpu.memref_squeeze %dma_start3A_606 : memref<1x50xi32, #tpu.memory_space<vmem>> -> memref<50xi32, #tpu.memory_space<vmem>>
        %dma_start3A_608 = arith.constant 0 : i32
        %dma_start3A_609 = arith.constant 0 : i32
        %dma_start3A_610 = tpu.memref_slice %arg3[%dma_start3A_608, %dma_start3A_609] : memref<100000x128xf32, #tpu.memory_space<hbm>> -> memref<100000x128xf32, #tpu.memory_space<hbm>>
        tpu.enqueue_indirect_dma source(%dma_start3A_610 : memref<100000x128xf32, #tpu.memory_space<hbm>>) target(%dma_start3A_604 : memref<50x128xf32, #tpu.memory_space<vmem>>) offsets(%dma_start3A_607 : memref<50xi32, #tpu.memory_space<vmem>>) semaphore(%arg7 : memref<!tpu.dma_semaphore, #tpu.memory_space<semaphore_mem>>)
      } else {
      }
      %sub3A = arith.constant 4 : i32
      %sub3A_321 = arith.subi %add3A_318, %sub3A : i32
      %ge3A_322 = arith.constant 1 : i32
      %ge3A_323 = arith.cmpi sge, %scan3A_314, %ge3A_322 : i32
      %convert_element_type3A_324 = arith.extui %ge3A_323 : i1 to i32
      %cond3A_325 = arith.constant 0 : i32
      %cond3A_326 = arith.cmpi ne, %convert_element_type3A_324, %cond3A_325 : i32
      scf.if %cond3A_326 {
        %dma_wait3A_583 = arith.constant 0 : i32
        %dma_wait3A_584 = arith.constant 4 : i32
        %dma_wait3A_585 = arith.constant 0 : i32
        %dma_wait3A_586 = arith.constant 0 : i32
        %dma_wait3A_587 = tpu.memref_slice %arg6[%dma_wait3A_584, %dma_wait3A_585, %dma_wait3A_586] : memref<8x50x128xf32, #tpu.memory_space<vmem>> -> memref<1x50x128xf32, #tpu.memory_space<vmem>>
        %dma_wait3A_588 = tpu.memref_squeeze %dma_wait3A_587 : memref<1x50x128xf32, #tpu.memory_space<vmem>> -> memref<50x128xf32, #tpu.memory_space<vmem>>
        %dma_wait3A_589 = arith.constant 0 : i32
        %dma_wait3A_590 = tpu.memref_slice %arg5[%dma_wait3A_583, %dma_wait3A_589] : memref<128x50xi32, #tpu.memory_space<vmem>> -> memref<1x50xi32, #tpu.memory_space<vmem>>
        %dma_wait3A_591 = tpu.memref_squeeze %dma_wait3A_590 : memref<1x50xi32, #tpu.memory_space<vmem>> -> memref<50xi32, #tpu.memory_space<vmem>>
        %dma_wait3A_592 = arith.constant 0 : i32
        %dma_wait3A_593 = arith.constant 0 : i32
        %dma_wait3A_594 = tpu.memref_slice %arg3[%dma_wait3A_592, %dma_wait3A_593] : memref<100000x128xf32, #tpu.memory_space<hbm>> -> memref<100000x128xf32, #tpu.memory_space<hbm>>
        tpu.wait_indirect_dma semaphore(%arg7 : memref<!tpu.dma_semaphore, #tpu.memory_space<semaphore_mem>>) src(%dma_wait3A_594 : memref<100000x128xf32, #tpu.memory_space<hbm>>) dst(%dma_wait3A_588 : memref<50x128xf32, #tpu.memory_space<vmem>>)
        %add3A_595 = arith.addi %mul3A_2, %sub3A_321 : i32
        %dma_start3A_596 = arith.constant 4 : i32
        %dma_start3A_597 = arith.constant 0 : i32
        %dma_start3A_598 = arith.constant 0 : i32
        %dma_start3A_599 = tpu.memref_slice %arg6[%dma_start3A_596, %dma_start3A_597, %dma_start3A_598] : memref<8x50x128xf32, #tpu.memory_space<vmem>> -> memref<1x50x128xf32, #tpu.memory_space<vmem>>
        %dma_start3A_600 = tpu.memref_squeeze %dma_start3A_599 : memref<1x50x128xf32, #tpu.memory_space<vmem>> -> memref<50x128xf32, #tpu.memory_space<vmem>>
        %dma_start3A_601 = arith.constant 0 : i32
        %dma_start3A_602 = arith.constant 0 : i32
        %dma_start3A_603 = tpu.memref_slice %arg4[%add3A_595, %dma_start3A_601, %dma_start3A_602] : memref<4096x50x128xf32, #tpu.memory_space<hbm>> -> memref<1x50x128xf32, #tpu.memory_space<hbm>>
        %dma_start3A_604 = tpu.memref_squeeze %dma_start3A_603 : memref<1x50x128xf32, #tpu.memory_space<hbm>> -> memref<50x128xf32, #tpu.memory_space<hbm>>
        %dma_start3A_605 = arith.constant 0 : i32
        %dma_start3A_606 = arith.constant 0 : i32
        %dma_start3A_607 = tpu.memref_slice %arg4[%add3A_595, %dma_start3A_605, %dma_start3A_606] : memref<4096x50x128xf32, #tpu.memory_space<hbm>> -> memref<1x50x128xf32, #tpu.memory_space<hbm>>
        %dma_start3A_608 = tpu.memref_squeeze %dma_start3A_607 : memref<1x50x128xf32, #tpu.memory_space<hbm>> -> memref<50x128xf32, #tpu.memory_space<hbm>>
        %dma_start3A_609 = arith.constant 0 : i32
        %dma_start3A_610 = arith.constant 0 : i32
        %dma_start3A_611 = tpu.memref_slice %arg6[%dma_start3A_596, %dma_start3A_609, %dma_start3A_610] : memref<8x50x128xf32, #tpu.memory_space<vmem>> -> memref<1x50x128xf32, #tpu.memory_space<vmem>>
        %dma_start3A_612 = tpu.memref_squeeze %dma_start3A_611 : memref<1x50x128xf32, #tpu.memory_space<vmem>> -> memref<50x128xf32, #tpu.memory_space<vmem>>
        tpu.enqueue_dma source(%dma_start3A_612 : memref<50x128xf32, #tpu.memory_space<vmem>>) target(%dma_start3A_608 : memref<50x128xf32, #tpu.memory_space<hbm>>) target_semaphore(%arg12 : memref<!tpu.dma_semaphore, #tpu.memory_space<semaphore_mem>>)
      } else {
      }
      %mul3A_327 = arith.constant 8 : i32
      %mul3A_328 = arith.muli %scan3A_314, %mul3A_327 : i32
      %add3A_329 = arith.constant 1 : i32
      %add3A_330 = arith.addi %mul3A_328, %add3A_329 : i32
      %ge3A_331 = arith.constant 1 : i32
      %ge3A_332 = arith.cmpi sge, %scan3A_314, %ge3A_331 : i32
      %convert_element_type3A_333 = arith.extui %ge3A_332 : i1 to i32
      %cond3A_334 = arith.constant 0 : i32
      %cond3A_335 = arith.cmpi ne, %convert_element_type3A_333, %cond3A_334 : i32
      scf.if %cond3A_335 {
        %dma_wait3A_583 = arith.constant 1 : i32
        %dma_wait3A_584 = arith.constant 0 : i32
        %dma_wait3A_585 = arith.constant 0 : i32
        %dma_wait3A_586 = tpu.memref_slice %arg6[%dma_wait3A_583, %dma_wait3A_584, %dma_wait3A_585] : memref<8x50x128xf32, #tpu.memory_space<vmem>> -> memref<1x50x128xf32, #tpu.memory_space<vmem>>
        %dma_wait3A_587 = tpu.memref_squeeze %dma_wait3A_586 : memref<1x50x128xf32, #tpu.memory_space<vmem>> -> memref<50x128xf32, #tpu.memory_space<vmem>>
        %dma_wait3A_588 = arith.constant 0 : i32
        %dma_wait3A_589 = arith.constant 0 : i32
        %dma_wait3A_590 = tpu.memref_slice %arg4[%mul3A_2, %dma_wait3A_588, %dma_wait3A_589] : memref<4096x50x128xf32, #tpu.memory_space<hbm>> -> memref<1x50x128xf32, #tpu.memory_space<hbm>>
        %dma_wait3A_591 = tpu.memref_squeeze %dma_wait3A_590 : memref<1x50x128xf32, #tpu.memory_space<hbm>> -> memref<50x128xf32, #tpu.memory_space<hbm>>
        %dma_wait3A_592 = arith.constant 0 : i32
        %dma_wait3A_593 = arith.constant 0 : i32
        %dma_wait3A_594 = tpu.memref_slice %arg4[%mul3A_2, %dma_wait3A_592, %dma_wait3A_593] : memref<4096x50x128xf32, #tpu.memory_space<hbm>> -> memref<1x50x128xf32, #tpu.memory_space<hbm>>
        %dma_wait3A_595 = tpu.memref_squeeze %dma_wait3A_594 : memref<1x50x128xf32, #tpu.memory_space<hbm>> -> memref<50x128xf32, #tpu.memory_space<hbm>>
        %dma_wait3A_596 = arith.constant 0 : i32
        %dma_wait3A_597 = arith.constant 0 : i32
        %dma_wait3A_598 = tpu.memref_slice %arg6[%dma_wait3A_583, %dma_wait3A_596, %dma_wait3A_597] : memref<8x50x128xf32, #tpu.memory_space<vmem>> -> memref<1x50x128xf32, #tpu.memory_space<vmem>>
        %dma_wait3A_599 = tpu.memref_squeeze %dma_wait3A_598 : memref<1x50x128xf32, #tpu.memory_space<vmem>> -> memref<50x128xf32, #tpu.memory_space<vmem>>
        tpu.wait_dma2 semaphore(%arg9 : memref<!tpu.dma_semaphore, #tpu.memory_space<semaphore_mem>>) src(%dma_wait3A_599 : memref<50x128xf32, #tpu.memory_space<vmem>>) dst(%dma_wait3A_595 : memref<50x128xf32, #tpu.memory_space<hbm>>)
        %dma_start3A_600 = arith.constant 1 : i32
        %dma_start3A_601 = arith.constant 0 : i32
        %dma_start3A_602 = arith.constant 0 : i32
        %dma_start3A_603 = tpu.memref_slice %arg6[%dma_start3A_600, %dma_start3A_601, %dma_start3A_602] : memref<8x50x128xf32, #tpu.memory_space<vmem>> -> memref<1x50x128xf32, #tpu.memory_space<vmem>>
        %dma_start3A_604 = tpu.memref_squeeze %dma_start3A_603 : memref<1x50x128xf32, #tpu.memory_space<vmem>> -> memref<50x128xf32, #tpu.memory_space<vmem>>
        %dma_start3A_605 = arith.constant 0 : i32
        %dma_start3A_606 = tpu.memref_slice %arg5[%add3A_330, %dma_start3A_605] : memref<128x50xi32, #tpu.memory_space<vmem>> -> memref<1x50xi32, #tpu.memory_space<vmem>>
        %dma_start3A_607 = tpu.memref_squeeze %dma_start3A_606 : memref<1x50xi32, #tpu.memory_space<vmem>> -> memref<50xi32, #tpu.memory_space<vmem>>
        %dma_start3A_608 = arith.constant 0 : i32
        %dma_start3A_609 = arith.constant 0 : i32
        %dma_start3A_610 = tpu.memref_slice %arg3[%dma_start3A_608, %dma_start3A_609] : memref<100000x128xf32, #tpu.memory_space<hbm>> -> memref<100000x128xf32, #tpu.memory_space<hbm>>
        tpu.enqueue_indirect_dma source(%dma_start3A_610 : memref<100000x128xf32, #tpu.memory_space<hbm>>) target(%dma_start3A_604 : memref<50x128xf32, #tpu.memory_space<vmem>>) offsets(%dma_start3A_607 : memref<50xi32, #tpu.memory_space<vmem>>) semaphore(%arg7 : memref<!tpu.dma_semaphore, #tpu.memory_space<semaphore_mem>>)
      } else {
      }
      %sub3A_336 = arith.constant 4 : i32
      %sub3A_337 = arith.subi %add3A_330, %sub3A_336 : i32
      %ge3A_338 = arith.constant 1 : i32
      %ge3A_339 = arith.cmpi sge, %scan3A_314, %ge3A_338 : i32
      %convert_element_type3A_340 = arith.extui %ge3A_339 : i1 to i32
      %cond3A_341 = arith.constant 0 : i32
      %cond3A_342 = arith.cmpi ne, %convert_element_type3A_340, %cond3A_341 : i32
      scf.if %cond3A_342 {
        %dma_wait3A_583 = arith.constant 0 : i32
        %dma_wait3A_584 = arith.constant 5 : i32
        %dma_wait3A_585 = arith.constant 0 : i32
        %dma_wait3A_586 = arith.constant 0 : i32
        %dma_wait3A_587 = tpu.memref_slice %arg6[%dma_wait3A_584, %dma_wait3A_585, %dma_wait3A_586] : memref<8x50x128xf32, #tpu.memory_space<vmem>> -> memref<1x50x128xf32, #tpu.memory_space<vmem>>
        %dma_wait3A_588 = tpu.memref_squeeze %dma_wait3A_587 : memref<1x50x128xf32, #tpu.memory_space<vmem>> -> memref<50x128xf32, #tpu.memory_space<vmem>>
        %dma_wait3A_589 = arith.constant 0 : i32
        %dma_wait3A_590 = tpu.memref_slice %arg5[%dma_wait3A_583, %dma_wait3A_589] : memref<128x50xi32, #tpu.memory_space<vmem>> -> memref<1x50xi32, #tpu.memory_space<vmem>>
        %dma_wait3A_591 = tpu.memref_squeeze %dma_wait3A_590 : memref<1x50xi32, #tpu.memory_space<vmem>> -> memref<50xi32, #tpu.memory_space<vmem>>
        %dma_wait3A_592 = arith.constant 0 : i32
        %dma_wait3A_593 = arith.constant 0 : i32
        %dma_wait3A_594 = tpu.memref_slice %arg3[%dma_wait3A_592, %dma_wait3A_593] : memref<100000x128xf32, #tpu.memory_space<hbm>> -> memref<100000x128xf32, #tpu.memory_space<hbm>>
        tpu.wait_indirect_dma semaphore(%arg7 : memref<!tpu.dma_semaphore, #tpu.memory_space<semaphore_mem>>) src(%dma_wait3A_594 : memref<100000x128xf32, #tpu.memory_space<hbm>>) dst(%dma_wait3A_588 : memref<50x128xf32, #tpu.memory_space<vmem>>)
        %add3A_595 = arith.addi %mul3A_2, %sub3A_337 : i32
        %dma_start3A_596 = arith.constant 5 : i32
        %dma_start3A_597 = arith.constant 0 : i32
        %dma_start3A_598 = arith.constant 0 : i32
        %dma_start3A_599 = tpu.memref_slice %arg6[%dma_start3A_596, %dma_start3A_597, %dma_start3A_598] : memref<8x50x128xf32, #tpu.memory_space<vmem>> -> memref<1x50x128xf32, #tpu.memory_space<vmem>>
        %dma_start3A_600 = tpu.memref_squeeze %dma_start3A_599 : memref<1x50x128xf32, #tpu.memory_space<vmem>> -> memref<50x128xf32, #tpu.memory_space<vmem>>
        %dma_start3A_601 = arith.constant 0 : i32
        %dma_start3A_602 = arith.constant 0 : i32
        %dma_start3A_603 = tpu.memref_slice %arg4[%add3A_595, %dma_start3A_601, %dma_start3A_602] : memref<4096x50x128xf32, #tpu.memory_space<hbm>> -> memref<1x50x128xf32, #tpu.memory_space<hbm>>
        %dma_start3A_604 = tpu.memref_squeeze %dma_start3A_603 : memref<1x50x128xf32, #tpu.memory_space<hbm>> -> memref<50x128xf32, #tpu.memory_space<hbm>>
        %dma_start3A_605 = arith.constant 0 : i32
        %dma_start3A_606 = arith.constant 0 : i32
        %dma_start3A_607 = tpu.memref_slice %arg4[%add3A_595, %dma_start3A_605, %dma_start3A_606] : memref<4096x50x128xf32, #tpu.memory_space<hbm>> -> memref<1x50x128xf32, #tpu.memory_space<hbm>>
        %dma_start3A_608 = tpu.memref_squeeze %dma_start3A_607 : memref<1x50x128xf32, #tpu.memory_space<hbm>> -> memref<50x128xf32, #tpu.memory_space<hbm>>
        %dma_start3A_609 = arith.constant 0 : i32
        %dma_start3A_610 = arith.constant 0 : i32
        %dma_start3A_611 = tpu.memref_slice %arg6[%dma_start3A_596, %dma_start3A_609, %dma_start3A_610] : memref<8x50x128xf32, #tpu.memory_space<vmem>> -> memref<1x50x128xf32, #tpu.memory_space<vmem>>
        %dma_start3A_612 = tpu.memref_squeeze %dma_start3A_611 : memref<1x50x128xf32, #tpu.memory_space<vmem>> -> memref<50x128xf32, #tpu.memory_space<vmem>>
        tpu.enqueue_dma source(%dma_start3A_612 : memref<50x128xf32, #tpu.memory_space<vmem>>) target(%dma_start3A_608 : memref<50x128xf32, #tpu.memory_space<hbm>>) target_semaphore(%arg13 : memref<!tpu.dma_semaphore, #tpu.memory_space<semaphore_mem>>)
      } else {
      }
      %mul3A_343 = arith.constant 8 : i32
      %mul3A_344 = arith.muli %scan3A_314, %mul3A_343 : i32
      %add3A_345 = arith.constant 2 : i32
      %add3A_346 = arith.addi %mul3A_344, %add3A_345 : i32
      %ge3A_347 = arith.constant 1 : i32
      %ge3A_348 = arith.cmpi sge, %scan3A_314, %ge3A_347 : i32
      %convert_element_type3A_349 = arith.extui %ge3A_348 : i1 to i32
      %cond3A_350 = arith.constant 0 : i32
      %cond3A_351 = arith.cmpi ne, %convert_element_type3A_349, %cond3A_350 : i32
      scf.if %cond3A_351 {
        %dma_wait3A_583 = arith.constant 2 : i32
        %dma_wait3A_584 = arith.constant 0 : i32
        %dma_wait3A_585 = arith.constant 0 : i32
        %dma_wait3A_586 = tpu.memref_slice %arg6[%dma_wait3A_583, %dma_wait3A_584, %dma_wait3A_585] : memref<8x50x128xf32, #tpu.memory_space<vmem>> -> memref<1x50x128xf32, #tpu.memory_space<vmem>>
        %dma_wait3A_587 = tpu.memref_squeeze %dma_wait3A_586 : memref<1x50x128xf32, #tpu.memory_space<vmem>> -> memref<50x128xf32, #tpu.memory_space<vmem>>
        %dma_wait3A_588 = arith.constant 0 : i32
        %dma_wait3A_589 = arith.constant 0 : i32
        %dma_wait3A_590 = tpu.memref_slice %arg4[%mul3A_2, %dma_wait3A_588, %dma_wait3A_589] : memref<4096x50x128xf32, #tpu.memory_space<hbm>> -> memref<1x50x128xf32, #tpu.memory_space<hbm>>
        %dma_wait3A_591 = tpu.memref_squeeze %dma_wait3A_590 : memref<1x50x128xf32, #tpu.memory_space<hbm>> -> memref<50x128xf32, #tpu.memory_space<hbm>>
        %dma_wait3A_592 = arith.constant 0 : i32
        %dma_wait3A_593 = arith.constant 0 : i32
        %dma_wait3A_594 = tpu.memref_slice %arg4[%mul3A_2, %dma_wait3A_592, %dma_wait3A_593] : memref<4096x50x128xf32, #tpu.memory_space<hbm>> -> memref<1x50x128xf32, #tpu.memory_space<hbm>>
        %dma_wait3A_595 = tpu.memref_squeeze %dma_wait3A_594 : memref<1x50x128xf32, #tpu.memory_space<hbm>> -> memref<50x128xf32, #tpu.memory_space<hbm>>
        %dma_wait3A_596 = arith.constant 0 : i32
        %dma_wait3A_597 = arith.constant 0 : i32
        %dma_wait3A_598 = tpu.memref_slice %arg6[%dma_wait3A_583, %dma_wait3A_596, %dma_wait3A_597] : memref<8x50x128xf32, #tpu.memory_space<vmem>> -> memref<1x50x128xf32, #tpu.memory_space<vmem>>
        %dma_wait3A_599 = tpu.memref_squeeze %dma_wait3A_598 : memref<1x50x128xf32, #tpu.memory_space<vmem>> -> memref<50x128xf32, #tpu.memory_space<vmem>>
        tpu.wait_dma2 semaphore(%arg10 : memref<!tpu.dma_semaphore, #tpu.memory_space<semaphore_mem>>) src(%dma_wait3A_599 : memref<50x128xf32, #tpu.memory_space<vmem>>) dst(%dma_wait3A_595 : memref<50x128xf32, #tpu.memory_space<hbm>>)
        %dma_start3A_600 = arith.constant 2 : i32
        %dma_start3A_601 = arith.constant 0 : i32
        %dma_start3A_602 = arith.constant 0 : i32
        %dma_start3A_603 = tpu.memref_slice %arg6[%dma_start3A_600, %dma_start3A_601, %dma_start3A_602] : memref<8x50x128xf32, #tpu.memory_space<vmem>> -> memref<1x50x128xf32, #tpu.memory_space<vmem>>
        %dma_start3A_604 = tpu.memref_squeeze %dma_start3A_603 : memref<1x50x128xf32, #tpu.memory_space<vmem>> -> memref<50x128xf32, #tpu.memory_space<vmem>>
        %dma_start3A_605 = arith.constant 0 : i32
        %dma_start3A_606 = tpu.memref_slice %arg5[%add3A_346, %dma_start3A_605] : memref<128x50xi32, #tpu.memory_space<vmem>> -> memref<1x50xi32, #tpu.memory_space<vmem>>
        %dma_start3A_607 = tpu.memref_squeeze %dma_start3A_606 : memref<1x50xi32, #tpu.memory_space<vmem>> -> memref<50xi32, #tpu.memory_space<vmem>>
        %dma_start3A_608 = arith.constant 0 : i32
        %dma_start3A_609 = arith.constant 0 : i32
        %dma_start3A_610 = tpu.memref_slice %arg3[%dma_start3A_608, %dma_start3A_609] : memref<100000x128xf32, #tpu.memory_space<hbm>> -> memref<100000x128xf32, #tpu.memory_space<hbm>>
        tpu.enqueue_indirect_dma source(%dma_start3A_610 : memref<100000x128xf32, #tpu.memory_space<hbm>>) target(%dma_start3A_604 : memref<50x128xf32, #tpu.memory_space<vmem>>) offsets(%dma_start3A_607 : memref<50xi32, #tpu.memory_space<vmem>>) semaphore(%arg7 : memref<!tpu.dma_semaphore, #tpu.memory_space<semaphore_mem>>)
      } else {
      }
      %sub3A_352 = arith.constant 4 : i32
      %sub3A_353 = arith.subi %add3A_346, %sub3A_352 : i32
      %ge3A_354 = arith.constant 1 : i32
      %ge3A_355 = arith.cmpi sge, %scan3A_314, %ge3A_354 : i32
      %convert_element_type3A_356 = arith.extui %ge3A_355 : i1 to i32
      %cond3A_357 = arith.constant 0 : i32
      %cond3A_358 = arith.cmpi ne, %convert_element_type3A_356, %cond3A_357 : i32
      scf.if %cond3A_358 {
        %dma_wait3A_583 = arith.constant 0 : i32
        %dma_wait3A_584 = arith.constant 6 : i32
        %dma_wait3A_585 = arith.constant 0 : i32
        %dma_wait3A_586 = arith.constant 0 : i32
        %dma_wait3A_587 = tpu.memref_slice %arg6[%dma_wait3A_584, %dma_wait3A_585, %dma_wait3A_586] : memref<8x50x128xf32, #tpu.memory_space<vmem>> -> memref<1x50x128xf32, #tpu.memory_space<vmem>>
        %dma_wait3A_588 = tpu.memref_squeeze %dma_wait3A_587 : memref<1x50x128xf32, #tpu.memory_space<vmem>> -> memref<50x128xf32, #tpu.memory_space<vmem>>
        %dma_wait3A_589 = arith.constant 0 : i32
        %dma_wait3A_590 = tpu.memref_slice %arg5[%dma_wait3A_583, %dma_wait3A_589] : memref<128x50xi32, #tpu.memory_space<vmem>> -> memref<1x50xi32, #tpu.memory_space<vmem>>
        %dma_wait3A_591 = tpu.memref_squeeze %dma_wait3A_590 : memref<1x50xi32, #tpu.memory_space<vmem>> -> memref<50xi32, #tpu.memory_space<vmem>>
        %dma_wait3A_592 = arith.constant 0 : i32
        %dma_wait3A_593 = arith.constant 0 : i32
        %dma_wait3A_594 = tpu.memref_slice %arg3[%dma_wait3A_592, %dma_wait3A_593] : memref<100000x128xf32, #tpu.memory_space<hbm>> -> memref<100000x128xf32, #tpu.memory_space<hbm>>
        tpu.wait_indirect_dma semaphore(%arg7 : memref<!tpu.dma_semaphore, #tpu.memory_space<semaphore_mem>>) src(%dma_wait3A_594 : memref<100000x128xf32, #tpu.memory_space<hbm>>) dst(%dma_wait3A_588 : memref<50x128xf32, #tpu.memory_space<vmem>>)
        %add3A_595 = arith.addi %mul3A_2, %sub3A_353 : i32
        %dma_start3A_596 = arith.constant 6 : i32
        %dma_start3A_597 = arith.constant 0 : i32
        %dma_start3A_598 = arith.constant 0 : i32
        %dma_start3A_599 = tpu.memref_slice %arg6[%dma_start3A_596, %dma_start3A_597, %dma_start3A_598] : memref<8x50x128xf32, #tpu.memory_space<vmem>> -> memref<1x50x128xf32, #tpu.memory_space<vmem>>
        %dma_start3A_600 = tpu.memref_squeeze %dma_start3A_599 : memref<1x50x128xf32, #tpu.memory_space<vmem>> -> memref<50x128xf32, #tpu.memory_space<vmem>>
        %dma_start3A_601 = arith.constant 0 : i32
        %dma_start3A_602 = arith.constant 0 : i32
        %dma_start3A_603 = tpu.memref_slice %arg4[%add3A_595, %dma_start3A_601, %dma_start3A_602] : memref<4096x50x128xf32, #tpu.memory_space<hbm>> -> memref<1x50x128xf32, #tpu.memory_space<hbm>>
        %dma_start3A_604 = tpu.memref_squeeze %dma_start3A_603 : memref<1x50x128xf32, #tpu.memory_space<hbm>> -> memref<50x128xf32, #tpu.memory_space<hbm>>
        %dma_start3A_605 = arith.constant 0 : i32
        %dma_start3A_606 = arith.constant 0 : i32
        %dma_start3A_607 = tpu.memref_slice %arg4[%add3A_595, %dma_start3A_605, %dma_start3A_606] : memref<4096x50x128xf32, #tpu.memory_space<hbm>> -> memref<1x50x128xf32, #tpu.memory_space<hbm>>
        %dma_start3A_608 = tpu.memref_squeeze %dma_start3A_607 : memref<1x50x128xf32, #tpu.memory_space<hbm>> -> memref<50x128xf32, #tpu.memory_space<hbm>>
        %dma_start3A_609 = arith.constant 0 : i32
        %dma_start3A_610 = arith.constant 0 : i32
        %dma_start3A_611 = tpu.memref_slice %arg6[%dma_start3A_596, %dma_start3A_609, %dma_start3A_610] : memref<8x50x128xf32, #tpu.memory_space<vmem>> -> memref<1x50x128xf32, #tpu.memory_space<vmem>>
        %dma_start3A_612 = tpu.memref_squeeze %dma_start3A_611 : memref<1x50x128xf32, #tpu.memory_space<vmem>> -> memref<50x128xf32, #tpu.memory_space<vmem>>
        tpu.enqueue_dma source(%dma_start3A_612 : memref<50x128xf32, #tpu.memory_space<vmem>>) target(%dma_start3A_608 : memref<50x128xf32, #tpu.memory_space<hbm>>) target_semaphore(%arg14 : memref<!tpu.dma_semaphore, #tpu.memory_space<semaphore_mem>>)
      } else {
      }
      %mul3A_359 = arith.constant 8 : i32
      %mul3A_360 = arith.muli %scan3A_314, %mul3A_359 : i32
      %add3A_361 = arith.constant 3 : i32
      %add3A_362 = arith.addi %mul3A_360, %add3A_361 : i32
      %ge3A_363 = arith.constant 1 : i32
      %ge3A_364 = arith.cmpi sge, %scan3A_314, %ge3A_363 : i32
      %convert_element_type3A_365 = arith.extui %ge3A_364 : i1 to i32
      %cond3A_366 = arith.constant 0 : i32
      %cond3A_367 = arith.cmpi ne, %convert_element_type3A_365, %cond3A_366 : i32
      scf.if %cond3A_367 {
        %dma_wait3A_583 = arith.constant 3 : i32
        %dma_wait3A_584 = arith.constant 0 : i32
        %dma_wait3A_585 = arith.constant 0 : i32
        %dma_wait3A_586 = tpu.memref_slice %arg6[%dma_wait3A_583, %dma_wait3A_584, %dma_wait3A_585] : memref<8x50x128xf32, #tpu.memory_space<vmem>> -> memref<1x50x128xf32, #tpu.memory_space<vmem>>
        %dma_wait3A_587 = tpu.memref_squeeze %dma_wait3A_586 : memref<1x50x128xf32, #tpu.memory_space<vmem>> -> memref<50x128xf32, #tpu.memory_space<vmem>>
        %dma_wait3A_588 = arith.constant 0 : i32
        %dma_wait3A_589 = arith.constant 0 : i32
        %dma_wait3A_590 = tpu.memref_slice %arg4[%mul3A_2, %dma_wait3A_588, %dma_wait3A_589] : memref<4096x50x128xf32, #tpu.memory_space<hbm>> -> memref<1x50x128xf32, #tpu.memory_space<hbm>>
        %dma_wait3A_591 = tpu.memref_squeeze %dma_wait3A_590 : memref<1x50x128xf32, #tpu.memory_space<hbm>> -> memref<50x128xf32, #tpu.memory_space<hbm>>
        %dma_wait3A_592 = arith.constant 0 : i32
        %dma_wait3A_593 = arith.constant 0 : i32
        %dma_wait3A_594 = tpu.memref_slice %arg4[%mul3A_2, %dma_wait3A_592, %dma_wait3A_593] : memref<4096x50x128xf32, #tpu.memory_space<hbm>> -> memref<1x50x128xf32, #tpu.memory_space<hbm>>
        %dma_wait3A_595 = tpu.memref_squeeze %dma_wait3A_594 : memref<1x50x128xf32, #tpu.memory_space<hbm>> -> memref<50x128xf32, #tpu.memory_space<hbm>>
        %dma_wait3A_596 = arith.constant 0 : i32
        %dma_wait3A_597 = arith.constant 0 : i32
        %dma_wait3A_598 = tpu.memref_slice %arg6[%dma_wait3A_583, %dma_wait3A_596, %dma_wait3A_597] : memref<8x50x128xf32, #tpu.memory_space<vmem>> -> memref<1x50x128xf32, #tpu.memory_space<vmem>>
        %dma_wait3A_599 = tpu.memref_squeeze %dma_wait3A_598 : memref<1x50x128xf32, #tpu.memory_space<vmem>> -> memref<50x128xf32, #tpu.memory_space<vmem>>
        tpu.wait_dma2 semaphore(%arg11 : memref<!tpu.dma_semaphore, #tpu.memory_space<semaphore_mem>>) src(%dma_wait3A_599 : memref<50x128xf32, #tpu.memory_space<vmem>>) dst(%dma_wait3A_595 : memref<50x128xf32, #tpu.memory_space<hbm>>)
        %dma_start3A_600 = arith.constant 3 : i32
        %dma_start3A_601 = arith.constant 0 : i32
        %dma_start3A_602 = arith.constant 0 : i32
        %dma_start3A_603 = tpu.memref_slice %arg6[%dma_start3A_600, %dma_start3A_601, %dma_start3A_602] : memref<8x50x128xf32, #tpu.memory_space<vmem>> -> memref<1x50x128xf32, #tpu.memory_space<vmem>>
        %dma_start3A_604 = tpu.memref_squeeze %dma_start3A_603 : memref<1x50x128xf32, #tpu.memory_space<vmem>> -> memref<50x128xf32, #tpu.memory_space<vmem>>
        %dma_start3A_605 = arith.constant 0 : i32
        %dma_start3A_606 = tpu.memref_slice %arg5[%add3A_362, %dma_start3A_605] : memref<128x50xi32, #tpu.memory_space<vmem>> -> memref<1x50xi32, #tpu.memory_space<vmem>>
        %dma_start3A_607 = tpu.memref_squeeze %dma_start3A_606 : memref<1x50xi32, #tpu.memory_space<vmem>> -> memref<50xi32, #tpu.memory_space<vmem>>
        %dma_start3A_608 = arith.constant 0 : i32
        %dma_start3A_609 = arith.constant 0 : i32
        %dma_start3A_610 = tpu.memref_slice %arg3[%dma_start3A_608, %dma_start3A_609] : memref<100000x128xf32, #tpu.memory_space<hbm>> -> memref<100000x128xf32, #tpu.memory_space<hbm>>
        tpu.enqueue_indirect_dma source(%dma_start3A_610 : memref<100000x128xf32, #tpu.memory_space<hbm>>) target(%dma_start3A_604 : memref<50x128xf32, #tpu.memory_space<vmem>>) offsets(%dma_start3A_607 : memref<50xi32, #tpu.memory_space<vmem>>) semaphore(%arg7 : memref<!tpu.dma_semaphore, #tpu.memory_space<semaphore_mem>>)
      } else {
      }
      %sub3A_368 = arith.constant 4 : i32
      %sub3A_369 = arith.subi %add3A_362, %sub3A_368 : i32
      %ge3A_370 = arith.constant 1 : i32
      %ge3A_371 = arith.cmpi sge, %scan3A_314, %ge3A_370 : i32
      %convert_element_type3A_372 = arith.extui %ge3A_371 : i1 to i32
      %cond3A_373 = arith.constant 0 : i32
      %cond3A_374 = arith.cmpi ne, %convert_element_type3A_372, %cond3A_373 : i32
      scf.if %cond3A_374 {
        %dma_wait3A_583 = arith.constant 0 : i32
        %dma_wait3A_584 = arith.constant 7 : i32
        %dma_wait3A_585 = arith.constant 0 : i32
        %dma_wait3A_586 = arith.constant 0 : i32
        %dma_wait3A_587 = tpu.memref_slice %arg6[%dma_wait3A_584, %dma_wait3A_585, %dma_wait3A_586] : memref<8x50x128xf32, #tpu.memory_space<vmem>> -> memref<1x50x128xf32, #tpu.memory_space<vmem>>
        %dma_wait3A_588 = tpu.memref_squeeze %dma_wait3A_587 : memref<1x50x128xf32, #tpu.memory_space<vmem>> -> memref<50x128xf32, #tpu.memory_space<vmem>>
        %dma_wait3A_589 = arith.constant 0 : i32
        %dma_wait3A_590 = tpu.memref_slice %arg5[%dma_wait3A_583, %dma_wait3A_589] : memref<128x50xi32, #tpu.memory_space<vmem>> -> memref<1x50xi32, #tpu.memory_space<vmem>>
        %dma_wait3A_591 = tpu.memref_squeeze %dma_wait3A_590 : memref<1x50xi32, #tpu.memory_space<vmem>> -> memref<50xi32, #tpu.memory_space<vmem>>
        %dma_wait3A_592 = arith.constant 0 : i32
        %dma_wait3A_593 = arith.constant 0 : i32
        %dma_wait3A_594 = tpu.memref_slice %arg3[%dma_wait3A_592, %dma_wait3A_593] : memref<100000x128xf32, #tpu.memory_space<hbm>> -> memref<100000x128xf32, #tpu.memory_space<hbm>>
        tpu.wait_indirect_dma semaphore(%arg7 : memref<!tpu.dma_semaphore, #tpu.memory_space<semaphore_mem>>) src(%dma_wait3A_594 : memref<100000x128xf32, #tpu.memory_space<hbm>>) dst(%dma_wait3A_588 : memref<50x128xf32, #tpu.memory_space<vmem>>)
        %add3A_595 = arith.addi %mul3A_2, %sub3A_369 : i32
        %dma_start3A_596 = arith.constant 7 : i32
        %dma_start3A_597 = arith.constant 0 : i32
        %dma_start3A_598 = arith.constant 0 : i32
        %dma_start3A_599 = tpu.memref_slice %arg6[%dma_start3A_596, %dma_start3A_597, %dma_start3A_598] : memref<8x50x128xf32, #tpu.memory_space<vmem>> -> memref<1x50x128xf32, #tpu.memory_space<vmem>>
        %dma_start3A_600 = tpu.memref_squeeze %dma_start3A_599 : memref<1x50x128xf32, #tpu.memory_space<vmem>> -> memref<50x128xf32, #tpu.memory_space<vmem>>
        %dma_start3A_601 = arith.constant 0 : i32
        %dma_start3A_602 = arith.constant 0 : i32
        %dma_start3A_603 = tpu.memref_slice %arg4[%add3A_595, %dma_start3A_601, %dma_start3A_602] : memref<4096x50x128xf32, #tpu.memory_space<hbm>> -> memref<1x50x128xf32, #tpu.memory_space<hbm>>
        %dma_start3A_604 = tpu.memref_squeeze %dma_start3A_603 : memref<1x50x128xf32, #tpu.memory_space<hbm>> -> memref<50x128xf32, #tpu.memory_space<hbm>>
        %dma_start3A_605 = arith.constant 0 : i32
        %dma_start3A_606 = arith.constant 0 : i32
        %dma_start3A_607 = tpu.memref_slice %arg4[%add3A_595, %dma_start3A_605, %dma_start3A_606] : memref<4096x50x128xf32, #tpu.memory_space<hbm>> -> memref<1x50x128xf32, #tpu.memory_space<hbm>>
        %dma_start3A_608 = tpu.memref_squeeze %dma_start3A_607 : memref<1x50x128xf32, #tpu.memory_space<hbm>> -> memref<50x128xf32, #tpu.memory_space<hbm>>
        %dma_start3A_609 = arith.constant 0 : i32
        %dma_start3A_610 = arith.constant 0 : i32
        %dma_start3A_611 = tpu.memref_slice %arg6[%dma_start3A_596, %dma_start3A_609, %dma_start3A_610] : memref<8x50x128xf32, #tpu.memory_space<vmem>> -> memref<1x50x128xf32, #tpu.memory_space<vmem>>
        %dma_start3A_612 = tpu.memref_squeeze %dma_start3A_611 : memref<1x50x128xf32, #tpu.memory_space<vmem>> -> memref<50x128xf32, #tpu.memory_space<vmem>>
        tpu.enqueue_dma source(%dma_start3A_612 : memref<50x128xf32, #tpu.memory_space<vmem>>) target(%dma_start3A_608 : memref<50x128xf32, #tpu.memory_space<hbm>>) target_semaphore(%arg15 : memref<!tpu.dma_semaphore, #tpu.memory_space<semaphore_mem>>)
      } else {
      }
      %mul3A_375 = arith.constant 8 : i32
      %mul3A_376 = arith.muli %scan3A_314, %mul3A_375 : i32
      %add3A_377 = arith.constant 4 : i32
      %add3A_378 = arith.addi %mul3A_376, %add3A_377 : i32
      %ge3A_379 = arith.constant 1 : i32
      %ge3A_380 = arith.cmpi sge, %scan3A_314, %ge3A_379 : i32
      %convert_element_type3A_381 = arith.extui %ge3A_380 : i1 to i32
      %cond3A_382 = arith.constant 0 : i32
      %cond3A_383 = arith.cmpi ne, %convert_element_type3A_381, %cond3A_382 : i32
      scf.if %cond3A_383 {
        %dma_wait3A_583 = arith.constant 4 : i32
        %dma_wait3A_584 = arith.constant 0 : i32
        %dma_wait3A_585 = arith.constant 0 : i32
        %dma_wait3A_586 = tpu.memref_slice %arg6[%dma_wait3A_583, %dma_wait3A_584, %dma_wait3A_585] : memref<8x50x128xf32, #tpu.memory_space<vmem>> -> memref<1x50x128xf32, #tpu.memory_space<vmem>>
        %dma_wait3A_587 = tpu.memref_squeeze %dma_wait3A_586 : memref<1x50x128xf32, #tpu.memory_space<vmem>> -> memref<50x128xf32, #tpu.memory_space<vmem>>
        %dma_wait3A_588 = arith.constant 0 : i32
        %dma_wait3A_589 = arith.constant 0 : i32
        %dma_wait3A_590 = tpu.memref_slice %arg4[%mul3A_2, %dma_wait3A_588, %dma_wait3A_589] : memref<4096x50x128xf32, #tpu.memory_space<hbm>> -> memref<1x50x128xf32, #tpu.memory_space<hbm>>
        %dma_wait3A_591 = tpu.memref_squeeze %dma_wait3A_590 : memref<1x50x128xf32, #tpu.memory_space<hbm>> -> memref<50x128xf32, #tpu.memory_space<hbm>>
        %dma_wait3A_592 = arith.constant 0 : i32
        %dma_wait3A_593 = arith.constant 0 : i32
        %dma_wait3A_594 = tpu.memref_slice %arg4[%mul3A_2, %dma_wait3A_592, %dma_wait3A_593] : memref<4096x50x128xf32, #tpu.memory_space<hbm>> -> memref<1x50x128xf32, #tpu.memory_space<hbm>>
        %dma_wait3A_595 = tpu.memref_squeeze %dma_wait3A_594 : memref<1x50x128xf32, #tpu.memory_space<hbm>> -> memref<50x128xf32, #tpu.memory_space<hbm>>
        %dma_wait3A_596 = arith.constant 0 : i32
        %dma_wait3A_597 = arith.constant 0 : i32
        %dma_wait3A_598 = tpu.memref_slice %arg6[%dma_wait3A_583, %dma_wait3A_596, %dma_wait3A_597] : memref<8x50x128xf32, #tpu.memory_space<vmem>> -> memref<1x50x128xf32, #tpu.memory_space<vmem>>
        %dma_wait3A_599 = tpu.memref_squeeze %dma_wait3A_598 : memref<1x50x128xf32, #tpu.memory_space<vmem>> -> memref<50x128xf32, #tpu.memory_space<vmem>>
        tpu.wait_dma2 semaphore(%arg12 : memref<!tpu.dma_semaphore, #tpu.memory_space<semaphore_mem>>) src(%dma_wait3A_599 : memref<50x128xf32, #tpu.memory_space<vmem>>) dst(%dma_wait3A_595 : memref<50x128xf32, #tpu.memory_space<hbm>>)
      } else {
      }
      %dma_start3A_384 = arith.constant 4 : i32
      %dma_start3A_385 = arith.constant 0 : i32
      %dma_start3A_386 = arith.constant 0 : i32
      %dma_start3A_387 = tpu.memref_slice %arg6[%dma_start3A_384, %dma_start3A_385, %dma_start3A_386] : memref<8x50x128xf32, #tpu.memory_space<vmem>> -> memref<1x50x128xf32, #tpu.memory_space<vmem>>
      %dma_start3A_388 = tpu.memref_squeeze %dma_start3A_387 : memref<1x50x128xf32, #tpu.memory_space<vmem>> -> memref<50x128xf32, #tpu.memory_space<vmem>>
      %dma_start3A_389 = arith.constant 0 : i32
      %dma_start3A_390 = tpu.memref_slice %arg5[%add3A_378, %dma_start3A_389] : memref<128x50xi32, #tpu.memory_space<vmem>> -> memref<1x50xi32, #tpu.memory_space<vmem>>
      %dma_start3A_391 = tpu.memref_squeeze %dma_start3A_390 : memref<1x50xi32, #tpu.memory_space<vmem>> -> memref<50xi32, #tpu.memory_space<vmem>>
      %dma_start3A_392 = arith.constant 0 : i32
      %dma_start3A_393 = arith.constant 0 : i32
      %dma_start3A_394 = tpu.memref_slice %arg3[%dma_start3A_392, %dma_start3A_393] : memref<100000x128xf32, #tpu.memory_space<hbm>> -> memref<100000x128xf32, #tpu.memory_space<hbm>>
      tpu.enqueue_indirect_dma source(%dma_start3A_394 : memref<100000x128xf32, #tpu.memory_space<hbm>>) target(%dma_start3A_388 : memref<50x128xf32, #tpu.memory_space<vmem>>) offsets(%dma_start3A_391 : memref<50xi32, #tpu.memory_space<vmem>>) semaphore(%arg7 : memref<!tpu.dma_semaphore, #tpu.memory_space<semaphore_mem>>)
      %sub3A_395 = arith.constant 4 : i32
      %sub3A_396 = arith.subi %add3A_378, %sub3A_395 : i32
      %dma_wait3A_397 = arith.constant 0 : i32
      %dma_wait3A_398 = arith.constant 0 : i32
      %dma_wait3A_399 = arith.constant 0 : i32
      %dma_wait3A_400 = arith.constant 0 : i32
      %dma_wait3A_401 = tpu.memref_slice %arg6[%dma_wait3A_398, %dma_wait3A_399, %dma_wait3A_400] : memref<8x50x128xf32, #tpu.memory_space<vmem>> -> memref<1x50x128xf32, #tpu.memory_space<vmem>>
      %dma_wait3A_402 = tpu.memref_squeeze %dma_wait3A_401 : memref<1x50x128xf32, #tpu.memory_space<vmem>> -> memref<50x128xf32, #tpu.memory_space<vmem>>
      %dma_wait3A_403 = arith.constant 0 : i32
      %dma_wait3A_404 = tpu.memref_slice %arg5[%dma_wait3A_397, %dma_wait3A_403] : memref<128x50xi32, #tpu.memory_space<vmem>> -> memref<1x50xi32, #tpu.memory_space<vmem>>
      %dma_wait3A_405 = tpu.memref_squeeze %dma_wait3A_404 : memref<1x50xi32, #tpu.memory_space<vmem>> -> memref<50xi32, #tpu.memory_space<vmem>>
      %dma_wait3A_406 = arith.constant 0 : i32
      %dma_wait3A_407 = arith.constant 0 : i32
      %dma_wait3A_408 = tpu.memref_slice %arg3[%dma_wait3A_406, %dma_wait3A_407] : memref<100000x128xf32, #tpu.memory_space<hbm>> -> memref<100000x128xf32, #tpu.memory_space<hbm>>
      tpu.wait_indirect_dma semaphore(%arg7 : memref<!tpu.dma_semaphore, #tpu.memory_space<semaphore_mem>>) src(%dma_wait3A_408 : memref<100000x128xf32, #tpu.memory_space<hbm>>) dst(%dma_wait3A_402 : memref<50x128xf32, #tpu.memory_space<vmem>>)
      %add3A_409 = arith.addi %mul3A_2, %sub3A_396 : i32
      %dma_start3A_410 = arith.constant 0 : i32
      %dma_start3A_411 = arith.constant 0 : i32
      %dma_start3A_412 = arith.constant 0 : i32
      %dma_start3A_413 = tpu.memref_slice %arg6[%dma_start3A_410, %dma_start3A_411, %dma_start3A_412] : memref<8x50x128xf32, #tpu.memory_space<vmem>> -> memref<1x50x128xf32, #tpu.memory_space<vmem>>
      %dma_start3A_414 = tpu.memref_squeeze %dma_start3A_413 : memref<1x50x128xf32, #tpu.memory_space<vmem>> -> memref<50x128xf32, #tpu.memory_space<vmem>>
      %dma_start3A_415 = arith.constant 0 : i32
      %dma_start3A_416 = arith.constant 0 : i32
      %dma_start3A_417 = tpu.memref_slice %arg4[%add3A_409, %dma_start3A_415, %dma_start3A_416] : memref<4096x50x128xf32, #tpu.memory_space<hbm>> -> memref<1x50x128xf32, #tpu.memory_space<hbm>>
      %dma_start3A_418 = tpu.memref_squeeze %dma_start3A_417 : memref<1x50x128xf32, #tpu.memory_space<hbm>> -> memref<50x128xf32, #tpu.memory_space<hbm>>
      %dma_start3A_419 = arith.constant 0 : i32
      %dma_start3A_420 = arith.constant 0 : i32
      %dma_start3A_421 = tpu.memref_slice %arg4[%add3A_409, %dma_start3A_419, %dma_start3A_420] : memref<4096x50x128xf32, #tpu.memory_space<hbm>> -> memref<1x50x128xf32, #tpu.memory_space<hbm>>
      %dma_start3A_422 = tpu.memref_squeeze %dma_start3A_421 : memref<1x50x128xf32, #tpu.memory_space<hbm>> -> memref<50x128xf32, #tpu.memory_space<hbm>>
      %dma_start3A_423 = arith.constant 0 : i32
      %dma_start3A_424 = arith.constant 0 : i32
      %dma_start3A_425 = tpu.memref_slice %arg6[%dma_start3A_410, %dma_start3A_423, %dma_start3A_424] : memref<8x50x128xf32, #tpu.memory_space<vmem>> -> memref<1x50x128xf32, #tpu.memory_space<vmem>>
      %dma_start3A_426 = tpu.memref_squeeze %dma_start3A_425 : memref<1x50x128xf32, #tpu.memory_space<vmem>> -> memref<50x128xf32, #tpu.memory_space<vmem>>
      tpu.enqueue_dma source(%dma_start3A_426 : memref<50x128xf32, #tpu.memory_space<vmem>>) target(%dma_start3A_422 : memref<50x128xf32, #tpu.memory_space<hbm>>) target_semaphore(%arg8 : memref<!tpu.dma_semaphore, #tpu.memory_space<semaphore_mem>>)
      %mul3A_427 = arith.constant 8 : i32
      %mul3A_428 = arith.muli %scan3A_314, %mul3A_427 : i32
      %add3A_429 = arith.constant 5 : i32
      %add3A_430 = arith.addi %mul3A_428, %add3A_429 : i32
      %ge3A_431 = arith.constant 1 : i32
      %ge3A_432 = arith.cmpi sge, %scan3A_314, %ge3A_431 : i32
      %convert_element_type3A_433 = arith.extui %ge3A_432 : i1 to i32
      %cond3A_434 = arith.constant 0 : i32
      %cond3A_435 = arith.cmpi ne, %convert_element_type3A_433, %cond3A_434 : i32
      scf.if %cond3A_435 {
        %dma_wait3A_583 = arith.constant 5 : i32
        %dma_wait3A_584 = arith.constant 0 : i32
        %dma_wait3A_585 = arith.constant 0 : i32
        %dma_wait3A_586 = tpu.memref_slice %arg6[%dma_wait3A_583, %dma_wait3A_584, %dma_wait3A_585] : memref<8x50x128xf32, #tpu.memory_space<vmem>> -> memref<1x50x128xf32, #tpu.memory_space<vmem>>
        %dma_wait3A_587 = tpu.memref_squeeze %dma_wait3A_586 : memref<1x50x128xf32, #tpu.memory_space<vmem>> -> memref<50x128xf32, #tpu.memory_space<vmem>>
        %dma_wait3A_588 = arith.constant 0 : i32
        %dma_wait3A_589 = arith.constant 0 : i32
        %dma_wait3A_590 = tpu.memref_slice %arg4[%mul3A_2, %dma_wait3A_588, %dma_wait3A_589] : memref<4096x50x128xf32, #tpu.memory_space<hbm>> -> memref<1x50x128xf32, #tpu.memory_space<hbm>>
        %dma_wait3A_591 = tpu.memref_squeeze %dma_wait3A_590 : memref<1x50x128xf32, #tpu.memory_space<hbm>> -> memref<50x128xf32, #tpu.memory_space<hbm>>
        %dma_wait3A_592 = arith.constant 0 : i32
        %dma_wait3A_593 = arith.constant 0 : i32
        %dma_wait3A_594 = tpu.memref_slice %arg4[%mul3A_2, %dma_wait3A_592, %dma_wait3A_593] : memref<4096x50x128xf32, #tpu.memory_space<hbm>> -> memref<1x50x128xf32, #tpu.memory_space<hbm>>
        %dma_wait3A_595 = tpu.memref_squeeze %dma_wait3A_594 : memref<1x50x128xf32, #tpu.memory_space<hbm>> -> memref<50x128xf32, #tpu.memory_space<hbm>>
        %dma_wait3A_596 = arith.constant 0 : i32
        %dma_wait3A_597 = arith.constant 0 : i32
        %dma_wait3A_598 = tpu.memref_slice %arg6[%dma_wait3A_583, %dma_wait3A_596, %dma_wait3A_597] : memref<8x50x128xf32, #tpu.memory_space<vmem>> -> memref<1x50x128xf32, #tpu.memory_space<vmem>>
        %dma_wait3A_599 = tpu.memref_squeeze %dma_wait3A_598 : memref<1x50x128xf32, #tpu.memory_space<vmem>> -> memref<50x128xf32, #tpu.memory_space<vmem>>
        tpu.wait_dma2 semaphore(%arg13 : memref<!tpu.dma_semaphore, #tpu.memory_space<semaphore_mem>>) src(%dma_wait3A_599 : memref<50x128xf32, #tpu.memory_space<vmem>>) dst(%dma_wait3A_595 : memref<50x128xf32, #tpu.memory_space<hbm>>)
      } else {
      }
      %dma_start3A_436 = arith.constant 5 : i32
      %dma_start3A_437 = arith.constant 0 : i32
      %dma_start3A_438 = arith.constant 0 : i32
      %dma_start3A_439 = tpu.memref_slice %arg6[%dma_start3A_436, %dma_start3A_437, %dma_start3A_438] : memref<8x50x128xf32, #tpu.memory_space<vmem>> -> memref<1x50x128xf32, #tpu.memory_space<vmem>>
      %dma_start3A_440 = tpu.memref_squeeze %dma_start3A_439 : memref<1x50x128xf32, #tpu.memory_space<vmem>> -> memref<50x128xf32, #tpu.memory_space<vmem>>
      %dma_start3A_441 = arith.constant 0 : i32
      %dma_start3A_442 = tpu.memref_slice %arg5[%add3A_430, %dma_start3A_441] : memref<128x50xi32, #tpu.memory_space<vmem>> -> memref<1x50xi32, #tpu.memory_space<vmem>>
      %dma_start3A_443 = tpu.memref_squeeze %dma_start3A_442 : memref<1x50xi32, #tpu.memory_space<vmem>> -> memref<50xi32, #tpu.memory_space<vmem>>
      %dma_start3A_444 = arith.constant 0 : i32
      %dma_start3A_445 = arith.constant 0 : i32
      %dma_start3A_446 = tpu.memref_slice %arg3[%dma_start3A_444, %dma_start3A_445] : memref<100000x128xf32, #tpu.memory_space<hbm>> -> memref<100000x128xf32, #tpu.memory_space<hbm>>
      tpu.enqueue_indirect_dma source(%dma_start3A_446 : memref<100000x128xf32, #tpu.memory_space<hbm>>) target(%dma_start3A_440 : memref<50x128xf32, #tpu.memory_space<vmem>>) offsets(%dma_start3A_443 : memref<50xi32, #tpu.memory_space<vmem>>) semaphore(%arg7 : memref<!tpu.dma_semaphore, #tpu.memory_space<semaphore_mem>>)
      %sub3A_447 = arith.constant 4 : i32
      %sub3A_448 = arith.subi %add3A_430, %sub3A_447 : i32
      %dma_wait3A_449 = arith.constant 0 : i32
      %dma_wait3A_450 = arith.constant 1 : i32
      %dma_wait3A_451 = arith.constant 0 : i32
      %dma_wait3A_452 = arith.constant 0 : i32
      %dma_wait3A_453 = tpu.memref_slice %arg6[%dma_wait3A_450, %dma_wait3A_451, %dma_wait3A_452] : memref<8x50x128xf32, #tpu.memory_space<vmem>> -> memref<1x50x128xf32, #tpu.memory_space<vmem>>
      %dma_wait3A_454 = tpu.memref_squeeze %dma_wait3A_453 : memref<1x50x128xf32, #tpu.memory_space<vmem>> -> memref<50x128xf32, #tpu.memory_space<vmem>>
      %dma_wait3A_455 = arith.constant 0 : i32
      %dma_wait3A_456 = tpu.memref_slice %arg5[%dma_wait3A_449, %dma_wait3A_455] : memref<128x50xi32, #tpu.memory_space<vmem>> -> memref<1x50xi32, #tpu.memory_space<vmem>>
      %dma_wait3A_457 = tpu.memref_squeeze %dma_wait3A_456 : memref<1x50xi32, #tpu.memory_space<vmem>> -> memref<50xi32, #tpu.memory_space<vmem>>
      %dma_wait3A_458 = arith.constant 0 : i32
      %dma_wait3A_459 = arith.constant 0 : i32
      %dma_wait3A_460 = tpu.memref_slice %arg3[%dma_wait3A_458, %dma_wait3A_459] : memref<100000x128xf32, #tpu.memory_space<hbm>> -> memref<100000x128xf32, #tpu.memory_space<hbm>>
      tpu.wait_indirect_dma semaphore(%arg7 : memref<!tpu.dma_semaphore, #tpu.memory_space<semaphore_mem>>) src(%dma_wait3A_460 : memref<100000x128xf32, #tpu.memory_space<hbm>>) dst(%dma_wait3A_454 : memref<50x128xf32, #tpu.memory_space<vmem>>)
      %add3A_461 = arith.addi %mul3A_2, %sub3A_448 : i32
      %dma_start3A_462 = arith.constant 1 : i32
      %dma_start3A_463 = arith.constant 0 : i32
      %dma_start3A_464 = arith.constant 0 : i32
      %dma_start3A_465 = tpu.memref_slice %arg6[%dma_start3A_462, %dma_start3A_463, %dma_start3A_464] : memref<8x50x128xf32, #tpu.memory_space<vmem>> -> memref<1x50x128xf32, #tpu.memory_space<vmem>>
      %dma_start3A_466 = tpu.memref_squeeze %dma_start3A_465 : memref<1x50x128xf32, #tpu.memory_space<vmem>> -> memref<50x128xf32, #tpu.memory_space<vmem>>
      %dma_start3A_467 = arith.constant 0 : i32
      %dma_start3A_468 = arith.constant 0 : i32
      %dma_start3A_469 = tpu.memref_slice %arg4[%add3A_461, %dma_start3A_467, %dma_start3A_468] : memref<4096x50x128xf32, #tpu.memory_space<hbm>> -> memref<1x50x128xf32, #tpu.memory_space<hbm>>
      %dma_start3A_470 = tpu.memref_squeeze %dma_start3A_469 : memref<1x50x128xf32, #tpu.memory_space<hbm>> -> memref<50x128xf32, #tpu.memory_space<hbm>>
      %dma_start3A_471 = arith.constant 0 : i32
      %dma_start3A_472 = arith.constant 0 : i32
      %dma_start3A_473 = tpu.memref_slice %arg4[%add3A_461, %dma_start3A_471, %dma_start3A_472] : memref<4096x50x128xf32, #tpu.memory_space<hbm>> -> memref<1x50x128xf32, #tpu.memory_space<hbm>>
      %dma_start3A_474 = tpu.memref_squeeze %dma_start3A_473 : memref<1x50x128xf32, #tpu.memory_space<hbm>> -> memref<50x128xf32, #tpu.memory_space<hbm>>
      %dma_start3A_475 = arith.constant 0 : i32
      %dma_start3A_476 = arith.constant 0 : i32
      %dma_start3A_477 = tpu.memref_slice %arg6[%dma_start3A_462, %dma_start3A_475, %dma_start3A_476] : memref<8x50x128xf32, #tpu.memory_space<vmem>> -> memref<1x50x128xf32, #tpu.memory_space<vmem>>
      %dma_start3A_478 = tpu.memref_squeeze %dma_start3A_477 : memref<1x50x128xf32, #tpu.memory_space<vmem>> -> memref<50x128xf32, #tpu.memory_space<vmem>>
      tpu.enqueue_dma source(%dma_start3A_478 : memref<50x128xf32, #tpu.memory_space<vmem>>) target(%dma_start3A_474 : memref<50x128xf32, #tpu.memory_space<hbm>>) target_semaphore(%arg9 : memref<!tpu.dma_semaphore, #tpu.memory_space<semaphore_mem>>)
      %mul3A_479 = arith.constant 8 : i32
      %mul3A_480 = arith.muli %scan3A_314, %mul3A_479 : i32
      %add3A_481 = arith.constant 6 : i32
      %add3A_482 = arith.addi %mul3A_480, %add3A_481 : i32
      %ge3A_483 = arith.constant 1 : i32
      %ge3A_484 = arith.cmpi sge, %scan3A_314, %ge3A_483 : i32
      %convert_element_type3A_485 = arith.extui %ge3A_484 : i1 to i32
      %cond3A_486 = arith.constant 0 : i32
      %cond3A_487 = arith.cmpi ne, %convert_element_type3A_485, %cond3A_486 : i32
      scf.if %cond3A_487 {
        %dma_wait3A_583 = arith.constant 6 : i32
        %dma_wait3A_584 = arith.constant 0 : i32
        %dma_wait3A_585 = arith.constant 0 : i32
        %dma_wait3A_586 = tpu.memref_slice %arg6[%dma_wait3A_583, %dma_wait3A_584, %dma_wait3A_585] : memref<8x50x128xf32, #tpu.memory_space<vmem>> -> memref<1x50x128xf32, #tpu.memory_space<vmem>>
        %dma_wait3A_587 = tpu.memref_squeeze %dma_wait3A_586 : memref<1x50x128xf32, #tpu.memory_space<vmem>> -> memref<50x128xf32, #tpu.memory_space<vmem>>
        %dma_wait3A_588 = arith.constant 0 : i32
        %dma_wait3A_589 = arith.constant 0 : i32
        %dma_wait3A_590 = tpu.memref_slice %arg4[%mul3A_2, %dma_wait3A_588, %dma_wait3A_589] : memref<4096x50x128xf32, #tpu.memory_space<hbm>> -> memref<1x50x128xf32, #tpu.memory_space<hbm>>
        %dma_wait3A_591 = tpu.memref_squeeze %dma_wait3A_590 : memref<1x50x128xf32, #tpu.memory_space<hbm>> -> memref<50x128xf32, #tpu.memory_space<hbm>>
        %dma_wait3A_592 = arith.constant 0 : i32
        %dma_wait3A_593 = arith.constant 0 : i32
        %dma_wait3A_594 = tpu.memref_slice %arg4[%mul3A_2, %dma_wait3A_592, %dma_wait3A_593] : memref<4096x50x128xf32, #tpu.memory_space<hbm>> -> memref<1x50x128xf32, #tpu.memory_space<hbm>>
        %dma_wait3A_595 = tpu.memref_squeeze %dma_wait3A_594 : memref<1x50x128xf32, #tpu.memory_space<hbm>> -> memref<50x128xf32, #tpu.memory_space<hbm>>
        %dma_wait3A_596 = arith.constant 0 : i32
        %dma_wait3A_597 = arith.constant 0 : i32
        %dma_wait3A_598 = tpu.memref_slice %arg6[%dma_wait3A_583, %dma_wait3A_596, %dma_wait3A_597] : memref<8x50x128xf32, #tpu.memory_space<vmem>> -> memref<1x50x128xf32, #tpu.memory_space<vmem>>
        %dma_wait3A_599 = tpu.memref_squeeze %dma_wait3A_598 : memref<1x50x128xf32, #tpu.memory_space<vmem>> -> memref<50x128xf32, #tpu.memory_space<vmem>>
        tpu.wait_dma2 semaphore(%arg14 : memref<!tpu.dma_semaphore, #tpu.memory_space<semaphore_mem>>) src(%dma_wait3A_599 : memref<50x128xf32, #tpu.memory_space<vmem>>) dst(%dma_wait3A_595 : memref<50x128xf32, #tpu.memory_space<hbm>>)
      } else {
      }
      %dma_start3A_488 = arith.constant 6 : i32
      %dma_start3A_489 = arith.constant 0 : i32
      %dma_start3A_490 = arith.constant 0 : i32
      %dma_start3A_491 = tpu.memref_slice %arg6[%dma_start3A_488, %dma_start3A_489, %dma_start3A_490] : memref<8x50x128xf32, #tpu.memory_space<vmem>> -> memref<1x50x128xf32, #tpu.memory_space<vmem>>
      %dma_start3A_492 = tpu.memref_squeeze %dma_start3A_491 : memref<1x50x128xf32, #tpu.memory_space<vmem>> -> memref<50x128xf32, #tpu.memory_space<vmem>>
      %dma_start3A_493 = arith.constant 0 : i32
      %dma_start3A_494 = tpu.memref_slice %arg5[%add3A_482, %dma_start3A_493] : memref<128x50xi32, #tpu.memory_space<vmem>> -> memref<1x50xi32, #tpu.memory_space<vmem>>
      %dma_start3A_495 = tpu.memref_squeeze %dma_start3A_494 : memref<1x50xi32, #tpu.memory_space<vmem>> -> memref<50xi32, #tpu.memory_space<vmem>>
      %dma_start3A_496 = arith.constant 0 : i32
      %dma_start3A_497 = arith.constant 0 : i32
      %dma_start3A_498 = tpu.memref_slice %arg3[%dma_start3A_496, %dma_start3A_497] : memref<100000x128xf32, #tpu.memory_space<hbm>> -> memref<100000x128xf32, #tpu.memory_space<hbm>>
      tpu.enqueue_indirect_dma source(%dma_start3A_498 : memref<100000x128xf32, #tpu.memory_space<hbm>>) target(%dma_start3A_492 : memref<50x128xf32, #tpu.memory_space<vmem>>) offsets(%dma_start3A_495 : memref<50xi32, #tpu.memory_space<vmem>>) semaphore(%arg7 : memref<!tpu.dma_semaphore, #tpu.memory_space<semaphore_mem>>)
      %sub3A_499 = arith.constant 4 : i32
      %sub3A_500 = arith.subi %add3A_482, %sub3A_499 : i32
      %dma_wait3A_501 = arith.constant 0 : i32
      %dma_wait3A_502 = arith.constant 2 : i32
      %dma_wait3A_503 = arith.constant 0 : i32
      %dma_wait3A_504 = arith.constant 0 : i32
      %dma_wait3A_505 = tpu.memref_slice %arg6[%dma_wait3A_502, %dma_wait3A_503, %dma_wait3A_504] : memref<8x50x128xf32, #tpu.memory_space<vmem>> -> memref<1x50x128xf32, #tpu.memory_space<vmem>>
      %dma_wait3A_506 = tpu.memref_squeeze %dma_wait3A_505 : memref<1x50x128xf32, #tpu.memory_space<vmem>> -> memref<50x128xf32, #tpu.memory_space<vmem>>
      %dma_wait3A_507 = arith.constant 0 : i32
      %dma_wait3A_508 = tpu.memref_slice %arg5[%dma_wait3A_501, %dma_wait3A_507] : memref<128x50xi32, #tpu.memory_space<vmem>> -> memref<1x50xi32, #tpu.memory_space<vmem>>
      %dma_wait3A_509 = tpu.memref_squeeze %dma_wait3A_508 : memref<1x50xi32, #tpu.memory_space<vmem>> -> memref<50xi32, #tpu.memory_space<vmem>>
      %dma_wait3A_510 = arith.constant 0 : i32
      %dma_wait3A_511 = arith.constant 0 : i32
      %dma_wait3A_512 = tpu.memref_slice %arg3[%dma_wait3A_510, %dma_wait3A_511] : memref<100000x128xf32, #tpu.memory_space<hbm>> -> memref<100000x128xf32, #tpu.memory_space<hbm>>
      tpu.wait_indirect_dma semaphore(%arg7 : memref<!tpu.dma_semaphore, #tpu.memory_space<semaphore_mem>>) src(%dma_wait3A_512 : memref<100000x128xf32, #tpu.memory_space<hbm>>) dst(%dma_wait3A_506 : memref<50x128xf32, #tpu.memory_space<vmem>>)
      %add3A_513 = arith.addi %mul3A_2, %sub3A_500 : i32
      %dma_start3A_514 = arith.constant 2 : i32
      %dma_start3A_515 = arith.constant 0 : i32
      %dma_start3A_516 = arith.constant 0 : i32
      %dma_start3A_517 = tpu.memref_slice %arg6[%dma_start3A_514, %dma_start3A_515, %dma_start3A_516] : memref<8x50x128xf32, #tpu.memory_space<vmem>> -> memref<1x50x128xf32, #tpu.memory_space<vmem>>
      %dma_start3A_518 = tpu.memref_squeeze %dma_start3A_517 : memref<1x50x128xf32, #tpu.memory_space<vmem>> -> memref<50x128xf32, #tpu.memory_space<vmem>>
      %dma_start3A_519 = arith.constant 0 : i32
      %dma_start3A_520 = arith.constant 0 : i32
      %dma_start3A_521 = tpu.memref_slice %arg4[%add3A_513, %dma_start3A_519, %dma_start3A_520] : memref<4096x50x128xf32, #tpu.memory_space<hbm>> -> memref<1x50x128xf32, #tpu.memory_space<hbm>>
      %dma_start3A_522 = tpu.memref_squeeze %dma_start3A_521 : memref<1x50x128xf32, #tpu.memory_space<hbm>> -> memref<50x128xf32, #tpu.memory_space<hbm>>
      %dma_start3A_523 = arith.constant 0 : i32
      %dma_start3A_524 = arith.constant 0 : i32
      %dma_start3A_525 = tpu.memref_slice %arg4[%add3A_513, %dma_start3A_523, %dma_start3A_524] : memref<4096x50x128xf32, #tpu.memory_space<hbm>> -> memref<1x50x128xf32, #tpu.memory_space<hbm>>
      %dma_start3A_526 = tpu.memref_squeeze %dma_start3A_525 : memref<1x50x128xf32, #tpu.memory_space<hbm>> -> memref<50x128xf32, #tpu.memory_space<hbm>>
      %dma_start3A_527 = arith.constant 0 : i32
      %dma_start3A_528 = arith.constant 0 : i32
      %dma_start3A_529 = tpu.memref_slice %arg6[%dma_start3A_514, %dma_start3A_527, %dma_start3A_528] : memref<8x50x128xf32, #tpu.memory_space<vmem>> -> memref<1x50x128xf32, #tpu.memory_space<vmem>>
      %dma_start3A_530 = tpu.memref_squeeze %dma_start3A_529 : memref<1x50x128xf32, #tpu.memory_space<vmem>> -> memref<50x128xf32, #tpu.memory_space<vmem>>
      tpu.enqueue_dma source(%dma_start3A_530 : memref<50x128xf32, #tpu.memory_space<vmem>>) target(%dma_start3A_526 : memref<50x128xf32, #tpu.memory_space<hbm>>) target_semaphore(%arg10 : memref<!tpu.dma_semaphore, #tpu.memory_space<semaphore_mem>>)
      %mul3A_531 = arith.constant 8 : i32
      %mul3A_532 = arith.muli %scan3A_314, %mul3A_531 : i32
      %add3A_533 = arith.constant 7 : i32
      %add3A_534 = arith.addi %mul3A_532, %add3A_533 : i32
      %ge3A_535 = arith.constant 1 : i32
      %ge3A_536 = arith.cmpi sge, %scan3A_314, %ge3A_535 : i32
      %convert_element_type3A_537 = arith.extui %ge3A_536 : i1 to i32
      %cond3A_538 = arith.constant 0 : i32
      %cond3A_539 = arith.cmpi ne, %convert_element_type3A_537, %cond3A_538 : i32
      scf.if %cond3A_539 {
        %dma_wait3A_583 = arith.constant 7 : i32
        %dma_wait3A_584 = arith.constant 0 : i32
        %dma_wait3A_585 = arith.constant 0 : i32
        %dma_wait3A_586 = tpu.memref_slice %arg6[%dma_wait3A_583, %dma_wait3A_584, %dma_wait3A_585] : memref<8x50x128xf32, #tpu.memory_space<vmem>> -> memref<1x50x128xf32, #tpu.memory_space<vmem>>
        %dma_wait3A_587 = tpu.memref_squeeze %dma_wait3A_586 : memref<1x50x128xf32, #tpu.memory_space<vmem>> -> memref<50x128xf32, #tpu.memory_space<vmem>>
        %dma_wait3A_588 = arith.constant 0 : i32
        %dma_wait3A_589 = arith.constant 0 : i32
        %dma_wait3A_590 = tpu.memref_slice %arg4[%mul3A_2, %dma_wait3A_588, %dma_wait3A_589] : memref<4096x50x128xf32, #tpu.memory_space<hbm>> -> memref<1x50x128xf32, #tpu.memory_space<hbm>>
        %dma_wait3A_591 = tpu.memref_squeeze %dma_wait3A_590 : memref<1x50x128xf32, #tpu.memory_space<hbm>> -> memref<50x128xf32, #tpu.memory_space<hbm>>
        %dma_wait3A_592 = arith.constant 0 : i32
        %dma_wait3A_593 = arith.constant 0 : i32
        %dma_wait3A_594 = tpu.memref_slice %arg4[%mul3A_2, %dma_wait3A_592, %dma_wait3A_593] : memref<4096x50x128xf32, #tpu.memory_space<hbm>> -> memref<1x50x128xf32, #tpu.memory_space<hbm>>
        %dma_wait3A_595 = tpu.memref_squeeze %dma_wait3A_594 : memref<1x50x128xf32, #tpu.memory_space<hbm>> -> memref<50x128xf32, #tpu.memory_space<hbm>>
        %dma_wait3A_596 = arith.constant 0 : i32
        %dma_wait3A_597 = arith.constant 0 : i32
        %dma_wait3A_598 = tpu.memref_slice %arg6[%dma_wait3A_583, %dma_wait3A_596, %dma_wait3A_597] : memref<8x50x128xf32, #tpu.memory_space<vmem>> -> memref<1x50x128xf32, #tpu.memory_space<vmem>>
        %dma_wait3A_599 = tpu.memref_squeeze %dma_wait3A_598 : memref<1x50x128xf32, #tpu.memory_space<vmem>> -> memref<50x128xf32, #tpu.memory_space<vmem>>
        tpu.wait_dma2 semaphore(%arg15 : memref<!tpu.dma_semaphore, #tpu.memory_space<semaphore_mem>>) src(%dma_wait3A_599 : memref<50x128xf32, #tpu.memory_space<vmem>>) dst(%dma_wait3A_595 : memref<50x128xf32, #tpu.memory_space<hbm>>)
      } else {
      }
      %dma_start3A_540 = arith.constant 7 : i32
      %dma_start3A_541 = arith.constant 0 : i32
      %dma_start3A_542 = arith.constant 0 : i32
      %dma_start3A_543 = tpu.memref_slice %arg6[%dma_start3A_540, %dma_start3A_541, %dma_start3A_542] : memref<8x50x128xf32, #tpu.memory_space<vmem>> -> memref<1x50x128xf32, #tpu.memory_space<vmem>>
      %dma_start3A_544 = tpu.memref_squeeze %dma_start3A_543 : memref<1x50x128xf32, #tpu.memory_space<vmem>> -> memref<50x128xf32, #tpu.memory_space<vmem>>
      %dma_start3A_545 = arith.constant 0 : i32
      %dma_start3A_546 = tpu.memref_slice %arg5[%add3A_534, %dma_start3A_545] : memref<128x50xi32, #tpu.memory_space<vmem>> -> memref<1x50xi32, #tpu.memory_space<vmem>>
      %dma_start3A_547 = tpu.memref_squeeze %dma_start3A_546 : memref<1x50xi32, #tpu.memory_space<vmem>> -> memref<50xi32, #tpu.memory_space<vmem>>
      %dma_start3A_548 = arith.constant 0 : i32
      %dma_start3A_549 = arith.constant 0 : i32
      %dma_start3A_550 = tpu.memref_slice %arg3[%dma_start3A_548, %dma_start3A_549] : memref<100000x128xf32, #tpu.memory_space<hbm>> -> memref<100000x128xf32, #tpu.memory_space<hbm>>
      tpu.enqueue_indirect_dma source(%dma_start3A_550 : memref<100000x128xf32, #tpu.memory_space<hbm>>) target(%dma_start3A_544 : memref<50x128xf32, #tpu.memory_space<vmem>>) offsets(%dma_start3A_547 : memref<50xi32, #tpu.memory_space<vmem>>) semaphore(%arg7 : memref<!tpu.dma_semaphore, #tpu.memory_space<semaphore_mem>>)
      %sub3A_551 = arith.constant 4 : i32
      %sub3A_552 = arith.subi %add3A_534, %sub3A_551 : i32
      %dma_wait3A_553 = arith.constant 0 : i32
      %dma_wait3A_554 = arith.constant 3 : i32
      %dma_wait3A_555 = arith.constant 0 : i32
      %dma_wait3A_556 = arith.constant 0 : i32
      %dma_wait3A_557 = tpu.memref_slice %arg6[%dma_wait3A_554, %dma_wait3A_555, %dma_wait3A_556] : memref<8x50x128xf32, #tpu.memory_space<vmem>> -> memref<1x50x128xf32, #tpu.memory_space<vmem>>
      %dma_wait3A_558 = tpu.memref_squeeze %dma_wait3A_557 : memref<1x50x128xf32, #tpu.memory_space<vmem>> -> memref<50x128xf32, #tpu.memory_space<vmem>>
      %dma_wait3A_559 = arith.constant 0 : i32
      %dma_wait3A_560 = tpu.memref_slice %arg5[%dma_wait3A_553, %dma_wait3A_559] : memref<128x50xi32, #tpu.memory_space<vmem>> -> memref<1x50xi32, #tpu.memory_space<vmem>>
      %dma_wait3A_561 = tpu.memref_squeeze %dma_wait3A_560 : memref<1x50xi32, #tpu.memory_space<vmem>> -> memref<50xi32, #tpu.memory_space<vmem>>
      %dma_wait3A_562 = arith.constant 0 : i32
      %dma_wait3A_563 = arith.constant 0 : i32
      %dma_wait3A_564 = tpu.memref_slice %arg3[%dma_wait3A_562, %dma_wait3A_563] : memref<100000x128xf32, #tpu.memory_space<hbm>> -> memref<100000x128xf32, #tpu.memory_space<hbm>>
      tpu.wait_indirect_dma semaphore(%arg7 : memref<!tpu.dma_semaphore, #tpu.memory_space<semaphore_mem>>) src(%dma_wait3A_564 : memref<100000x128xf32, #tpu.memory_space<hbm>>) dst(%dma_wait3A_558 : memref<50x128xf32, #tpu.memory_space<vmem>>)
      %add3A_565 = arith.addi %mul3A_2, %sub3A_552 : i32
      %dma_start3A_566 = arith.constant 3 : i32
      %dma_start3A_567 = arith.constant 0 : i32
      %dma_start3A_568 = arith.constant 0 : i32
      %dma_start3A_569 = tpu.memref_slice %arg6[%dma_start3A_566, %dma_start3A_567, %dma_start3A_568] : memref<8x50x128xf32, #tpu.memory_space<vmem>> -> memref<1x50x128xf32, #tpu.memory_space<vmem>>
      %dma_start3A_570 = tpu.memref_squeeze %dma_start3A_569 : memref<1x50x128xf32, #tpu.memory_space<vmem>> -> memref<50x128xf32, #tpu.memory_space<vmem>>
      %dma_start3A_571 = arith.constant 0 : i32
      %dma_start3A_572 = arith.constant 0 : i32
      %dma_start3A_573 = tpu.memref_slice %arg4[%add3A_565, %dma_start3A_571, %dma_start3A_572] : memref<4096x50x128xf32, #tpu.memory_space<hbm>> -> memref<1x50x128xf32, #tpu.memory_space<hbm>>
      %dma_start3A_574 = tpu.memref_squeeze %dma_start3A_573 : memref<1x50x128xf32, #tpu.memory_space<hbm>> -> memref<50x128xf32, #tpu.memory_space<hbm>>
      %dma_start3A_575 = arith.constant 0 : i32
      %dma_start3A_576 = arith.constant 0 : i32
      %dma_start3A_577 = tpu.memref_slice %arg4[%add3A_565, %dma_start3A_575, %dma_start3A_576] : memref<4096x50x128xf32, #tpu.memory_space<hbm>> -> memref<1x50x128xf32, #tpu.memory_space<hbm>>
      %dma_start3A_578 = tpu.memref_squeeze %dma_start3A_577 : memref<1x50x128xf32, #tpu.memory_space<hbm>> -> memref<50x128xf32, #tpu.memory_space<hbm>>
      %dma_start3A_579 = arith.constant 0 : i32
      %dma_start3A_580 = arith.constant 0 : i32
      %dma_start3A_581 = tpu.memref_slice %arg6[%dma_start3A_566, %dma_start3A_579, %dma_start3A_580] : memref<8x50x128xf32, #tpu.memory_space<vmem>> -> memref<1x50x128xf32, #tpu.memory_space<vmem>>
      %dma_start3A_582 = tpu.memref_squeeze %dma_start3A_581 : memref<1x50x128xf32, #tpu.memory_space<vmem>> -> memref<50x128xf32, #tpu.memory_space<vmem>>
      tpu.enqueue_dma source(%dma_start3A_582 : memref<50x128xf32, #tpu.memory_space<vmem>>) target(%dma_start3A_578 : memref<50x128xf32, #tpu.memory_space<hbm>>) target_semaphore(%arg11 : memref<!tpu.dma_semaphore, #tpu.memory_space<semaphore_mem>>)
    }
    %scan3A_54 = arith.constant 16 : i32
    %dma_wait3A = arith.constant 0 : i32
    %dma_wait3A_55 = arith.constant 4 : i32
    %dma_wait3A_56 = arith.constant 0 : i32
    %dma_wait3A_57 = arith.constant 0 : i32
    %dma_wait3A_58 = tpu.memref_slice %arg6[%dma_wait3A_55, %dma_wait3A_56, %dma_wait3A_57] : memref<8x50x128xf32, #tpu.memory_space<vmem>> -> memref<1x50x128xf32, #tpu.memory_space<vmem>>
    %dma_wait3A_59 = tpu.memref_squeeze %dma_wait3A_58 : memref<1x50x128xf32, #tpu.memory_space<vmem>> -> memref<50x128xf32, #tpu.memory_space<vmem>>
    %dma_wait3A_60 = arith.constant 0 : i32
    %dma_wait3A_61 = tpu.memref_slice %arg5[%dma_wait3A, %dma_wait3A_60] : memref<128x50xi32, #tpu.memory_space<vmem>> -> memref<1x50xi32, #tpu.memory_space<vmem>>
    %dma_wait3A_62 = tpu.memref_squeeze %dma_wait3A_61 : memref<1x50xi32, #tpu.memory_space<vmem>> -> memref<50xi32, #tpu.memory_space<vmem>>
    %dma_wait3A_63 = arith.constant 0 : i32
    %dma_wait3A_64 = arith.constant 0 : i32
    %dma_wait3A_65 = tpu.memref_slice %arg3[%dma_wait3A_63, %dma_wait3A_64] : memref<100000x128xf32, #tpu.memory_space<hbm>> -> memref<100000x128xf32, #tpu.memory_space<hbm>>
    tpu.wait_indirect_dma semaphore(%arg7 : memref<!tpu.dma_semaphore, #tpu.memory_space<semaphore_mem>>) src(%dma_wait3A_65 : memref<100000x128xf32, #tpu.memory_space<hbm>>) dst(%dma_wait3A_59 : memref<50x128xf32, #tpu.memory_space<vmem>>)
    %add3A_66 = arith.constant 124 : i32
    %add3A_67 = arith.addi %mul3A_2, %add3A_66 : i32
    %dma_start3A_68 = arith.constant 4 : i32
    %dma_start3A_69 = arith.constant 0 : i32
    %dma_start3A_70 = arith.constant 0 : i32
    %dma_start3A_71 = tpu.memref_slice %arg6[%dma_start3A_68, %dma_start3A_69, %dma_start3A_70] : memref<8x50x128xf32, #tpu.memory_space<vmem>> -> memref<1x50x128xf32, #tpu.memory_space<vmem>>
    %dma_start3A_72 = tpu.memref_squeeze %dma_start3A_71 : memref<1x50x128xf32, #tpu.memory_space<vmem>> -> memref<50x128xf32, #tpu.memory_space<vmem>>
    %dma_start3A_73 = arith.constant 0 : i32
    %dma_start3A_74 = arith.constant 0 : i32
    %dma_start3A_75 = tpu.memref_slice %arg4[%add3A_67, %dma_start3A_73, %dma_start3A_74] : memref<4096x50x128xf32, #tpu.memory_space<hbm>> -> memref<1x50x128xf32, #tpu.memory_space<hbm>>
    %dma_start3A_76 = tpu.memref_squeeze %dma_start3A_75 : memref<1x50x128xf32, #tpu.memory_space<hbm>> -> memref<50x128xf32, #tpu.memory_space<hbm>>
    %dma_start3A_77 = arith.constant 0 : i32
    %dma_start3A_78 = arith.constant 0 : i32
    %dma_start3A_79 = tpu.memref_slice %arg4[%add3A_67, %dma_start3A_77, %dma_start3A_78] : memref<4096x50x128xf32, #tpu.memory_space<hbm>> -> memref<1x50x128xf32, #tpu.memory_space<hbm>>
    %dma_start3A_80 = tpu.memref_squeeze %dma_start3A_79 : memref<1x50x128xf32, #tpu.memory_space<hbm>> -> memref<50x128xf32, #tpu.memory_space<hbm>>
    %dma_start3A_81 = arith.constant 0 : i32
    %dma_start3A_82 = arith.constant 0 : i32
    %dma_start3A_83 = tpu.memref_slice %arg6[%dma_start3A_68, %dma_start3A_81, %dma_start3A_82] : memref<8x50x128xf32, #tpu.memory_space<vmem>> -> memref<1x50x128xf32, #tpu.memory_space<vmem>>
    %dma_start3A_84 = tpu.memref_squeeze %dma_start3A_83 : memref<1x50x128xf32, #tpu.memory_space<vmem>> -> memref<50x128xf32, #tpu.memory_space<vmem>>
    tpu.enqueue_dma source(%dma_start3A_84 : memref<50x128xf32, #tpu.memory_space<vmem>>) target(%dma_start3A_80 : memref<50x128xf32, #tpu.memory_space<hbm>>) target_semaphore(%arg12 : memref<!tpu.dma_semaphore, #tpu.memory_space<semaphore_mem>>)
    %dma_wait3A_85 = arith.constant 0 : i32
    %dma_wait3A_86 = arith.constant 5 : i32
    %dma_wait3A_87 = arith.constant 0 : i32
    %dma_wait3A_88 = arith.constant 0 : i32
    %dma_wait3A_89 = tpu.memref_slice %arg6[%dma_wait3A_86, %dma_wait3A_87, %dma_wait3A_88] : memref<8x50x128xf32, #tpu.memory_space<vmem>> -> memref<1x50x128xf32, #tpu.memory_space<vmem>>
    %dma_wait3A_90 = tpu.memref_squeeze %dma_wait3A_89 : memref<1x50x128xf32, #tpu.memory_space<vmem>> -> memref<50x128xf32, #tpu.memory_space<vmem>>
    %dma_wait3A_91 = arith.constant 0 : i32
    %dma_wait3A_92 = tpu.memref_slice %arg5[%dma_wait3A_85, %dma_wait3A_91] : memref<128x50xi32, #tpu.memory_space<vmem>> -> memref<1x50xi32, #tpu.memory_space<vmem>>
    %dma_wait3A_93 = tpu.memref_squeeze %dma_wait3A_92 : memref<1x50xi32, #tpu.memory_space<vmem>> -> memref<50xi32, #tpu.memory_space<vmem>>
    %dma_wait3A_94 = arith.constant 0 : i32
    %dma_wait3A_95 = arith.constant 0 : i32
    %dma_wait3A_96 = tpu.memref_slice %arg3[%dma_wait3A_94, %dma_wait3A_95] : memref<100000x128xf32, #tpu.memory_space<hbm>> -> memref<100000x128xf32, #tpu.memory_space<hbm>>
    tpu.wait_indirect_dma semaphore(%arg7 : memref<!tpu.dma_semaphore, #tpu.memory_space<semaphore_mem>>) src(%dma_wait3A_96 : memref<100000x128xf32, #tpu.memory_space<hbm>>) dst(%dma_wait3A_90 : memref<50x128xf32, #tpu.memory_space<vmem>>)
    %add3A_97 = arith.constant 125 : i32
    %add3A_98 = arith.addi %mul3A_2, %add3A_97 : i32
    %dma_start3A_99 = arith.constant 5 : i32
    %dma_start3A_100 = arith.constant 0 : i32
    %dma_start3A_101 = arith.constant 0 : i32
    %dma_start3A_102 = tpu.memref_slice %arg6[%dma_start3A_99, %dma_start3A_100, %dma_start3A_101] : memref<8x50x128xf32, #tpu.memory_space<vmem>> -> memref<1x50x128xf32, #tpu.memory_space<vmem>>
    %dma_start3A_103 = tpu.memref_squeeze %dma_start3A_102 : memref<1x50x128xf32, #tpu.memory_space<vmem>> -> memref<50x128xf32, #tpu.memory_space<vmem>>
    %dma_start3A_104 = arith.constant 0 : i32
    %dma_start3A_105 = arith.constant 0 : i32
    %dma_start3A_106 = tpu.memref_slice %arg4[%add3A_98, %dma_start3A_104, %dma_start3A_105] : memref<4096x50x128xf32, #tpu.memory_space<hbm>> -> memref<1x50x128xf32, #tpu.memory_space<hbm>>
    %dma_start3A_107 = tpu.memref_squeeze %dma_start3A_106 : memref<1x50x128xf32, #tpu.memory_space<hbm>> -> memref<50x128xf32, #tpu.memory_space<hbm>>
    %dma_start3A_108 = arith.constant 0 : i32
    %dma_start3A_109 = arith.constant 0 : i32
    %dma_start3A_110 = tpu.memref_slice %arg4[%add3A_98, %dma_start3A_108, %dma_start3A_109] : memref<4096x50x128xf32, #tpu.memory_space<hbm>> -> memref<1x50x128xf32, #tpu.memory_space<hbm>>
    %dma_start3A_111 = tpu.memref_squeeze %dma_start3A_110 : memref<1x50x128xf32, #tpu.memory_space<hbm>> -> memref<50x128xf32, #tpu.memory_space<hbm>>
    %dma_start3A_112 = arith.constant 0 : i32
    %dma_start3A_113 = arith.constant 0 : i32
    %dma_start3A_114 = tpu.memref_slice %arg6[%dma_start3A_99, %dma_start3A_112, %dma_start3A_113] : memref<8x50x128xf32, #tpu.memory_space<vmem>> -> memref<1x50x128xf32, #tpu.memory_space<vmem>>
    %dma_start3A_115 = tpu.memref_squeeze %dma_start3A_114 : memref<1x50x128xf32, #tpu.memory_space<vmem>> -> memref<50x128xf32, #tpu.memory_space<vmem>>
    tpu.enqueue_dma source(%dma_start3A_115 : memref<50x128xf32, #tpu.memory_space<vmem>>) target(%dma_start3A_111 : memref<50x128xf32, #tpu.memory_space<hbm>>) target_semaphore(%arg13 : memref<!tpu.dma_semaphore, #tpu.memory_space<semaphore_mem>>)
    %dma_wait3A_116 = arith.constant 0 : i32
    %dma_wait3A_117 = arith.constant 6 : i32
    %dma_wait3A_118 = arith.constant 0 : i32
    %dma_wait3A_119 = arith.constant 0 : i32
    %dma_wait3A_120 = tpu.memref_slice %arg6[%dma_wait3A_117, %dma_wait3A_118, %dma_wait3A_119] : memref<8x50x128xf32, #tpu.memory_space<vmem>> -> memref<1x50x128xf32, #tpu.memory_space<vmem>>
    %dma_wait3A_121 = tpu.memref_squeeze %dma_wait3A_120 : memref<1x50x128xf32, #tpu.memory_space<vmem>> -> memref<50x128xf32, #tpu.memory_space<vmem>>
    %dma_wait3A_122 = arith.constant 0 : i32
    %dma_wait3A_123 = tpu.memref_slice %arg5[%dma_wait3A_116, %dma_wait3A_122] : memref<128x50xi32, #tpu.memory_space<vmem>> -> memref<1x50xi32, #tpu.memory_space<vmem>>
    %dma_wait3A_124 = tpu.memref_squeeze %dma_wait3A_123 : memref<1x50xi32, #tpu.memory_space<vmem>> -> memref<50xi32, #tpu.memory_space<vmem>>
    %dma_wait3A_125 = arith.constant 0 : i32
    %dma_wait3A_126 = arith.constant 0 : i32
    %dma_wait3A_127 = tpu.memref_slice %arg3[%dma_wait3A_125, %dma_wait3A_126] : memref<100000x128xf32, #tpu.memory_space<hbm>> -> memref<100000x128xf32, #tpu.memory_space<hbm>>
    tpu.wait_indirect_dma semaphore(%arg7 : memref<!tpu.dma_semaphore, #tpu.memory_space<semaphore_mem>>) src(%dma_wait3A_127 : memref<100000x128xf32, #tpu.memory_space<hbm>>) dst(%dma_wait3A_121 : memref<50x128xf32, #tpu.memory_space<vmem>>)
    %add3A_128 = arith.constant 126 : i32
    %add3A_129 = arith.addi %mul3A_2, %add3A_128 : i32
    %dma_start3A_130 = arith.constant 6 : i32
    %dma_start3A_131 = arith.constant 0 : i32
    %dma_start3A_132 = arith.constant 0 : i32
    %dma_start3A_133 = tpu.memref_slice %arg6[%dma_start3A_130, %dma_start3A_131, %dma_start3A_132] : memref<8x50x128xf32, #tpu.memory_space<vmem>> -> memref<1x50x128xf32, #tpu.memory_space<vmem>>
    %dma_start3A_134 = tpu.memref_squeeze %dma_start3A_133 : memref<1x50x128xf32, #tpu.memory_space<vmem>> -> memref<50x128xf32, #tpu.memory_space<vmem>>
    %dma_start3A_135 = arith.constant 0 : i32
    %dma_start3A_136 = arith.constant 0 : i32
    %dma_start3A_137 = tpu.memref_slice %arg4[%add3A_129, %dma_start3A_135, %dma_start3A_136] : memref<4096x50x128xf32, #tpu.memory_space<hbm>> -> memref<1x50x128xf32, #tpu.memory_space<hbm>>
    %dma_start3A_138 = tpu.memref_squeeze %dma_start3A_137 : memref<1x50x128xf32, #tpu.memory_space<hbm>> -> memref<50x128xf32, #tpu.memory_space<hbm>>
    %dma_start3A_139 = arith.constant 0 : i32
    %dma_start3A_140 = arith.constant 0 : i32
    %dma_start3A_141 = tpu.memref_slice %arg4[%add3A_129, %dma_start3A_139, %dma_start3A_140] : memref<4096x50x128xf32, #tpu.memory_space<hbm>> -> memref<1x50x128xf32, #tpu.memory_space<hbm>>
    %dma_start3A_142 = tpu.memref_squeeze %dma_start3A_141 : memref<1x50x128xf32, #tpu.memory_space<hbm>> -> memref<50x128xf32, #tpu.memory_space<hbm>>
    %dma_start3A_143 = arith.constant 0 : i32
    %dma_start3A_144 = arith.constant 0 : i32
    %dma_start3A_145 = tpu.memref_slice %arg6[%dma_start3A_130, %dma_start3A_143, %dma_start3A_144] : memref<8x50x128xf32, #tpu.memory_space<vmem>> -> memref<1x50x128xf32, #tpu.memory_space<vmem>>
    %dma_start3A_146 = tpu.memref_squeeze %dma_start3A_145 : memref<1x50x128xf32, #tpu.memory_space<vmem>> -> memref<50x128xf32, #tpu.memory_space<vmem>>
    tpu.enqueue_dma source(%dma_start3A_146 : memref<50x128xf32, #tpu.memory_space<vmem>>) target(%dma_start3A_142 : memref<50x128xf32, #tpu.memory_space<hbm>>) target_semaphore(%arg14 : memref<!tpu.dma_semaphore, #tpu.memory_space<semaphore_mem>>)
    %dma_wait3A_147 = arith.constant 0 : i32
    %dma_wait3A_148 = arith.constant 7 : i32
    %dma_wait3A_149 = arith.constant 0 : i32
    %dma_wait3A_150 = arith.constant 0 : i32
    %dma_wait3A_151 = tpu.memref_slice %arg6[%dma_wait3A_148, %dma_wait3A_149, %dma_wait3A_150] : memref<8x50x128xf32, #tpu.memory_space<vmem>> -> memref<1x50x128xf32, #tpu.memory_space<vmem>>
    %dma_wait3A_152 = tpu.memref_squeeze %dma_wait3A_151 : memref<1x50x128xf32, #tpu.memory_space<vmem>> -> memref<50x128xf32, #tpu.memory_space<vmem>>
    %dma_wait3A_153 = arith.constant 0 : i32
    %dma_wait3A_154 = tpu.memref_slice %arg5[%dma_wait3A_147, %dma_wait3A_153] : memref<128x50xi32, #tpu.memory_space<vmem>> -> memref<1x50xi32, #tpu.memory_space<vmem>>
    %dma_wait3A_155 = tpu.memref_squeeze %dma_wait3A_154 : memref<1x50xi32, #tpu.memory_space<vmem>> -> memref<50xi32, #tpu.memory_space<vmem>>
    %dma_wait3A_156 = arith.constant 0 : i32
    %dma_wait3A_157 = arith.constant 0 : i32
    %dma_wait3A_158 = tpu.memref_slice %arg3[%dma_wait3A_156, %dma_wait3A_157] : memref<100000x128xf32, #tpu.memory_space<hbm>> -> memref<100000x128xf32, #tpu.memory_space<hbm>>
    tpu.wait_indirect_dma semaphore(%arg7 : memref<!tpu.dma_semaphore, #tpu.memory_space<semaphore_mem>>) src(%dma_wait3A_158 : memref<100000x128xf32, #tpu.memory_space<hbm>>) dst(%dma_wait3A_152 : memref<50x128xf32, #tpu.memory_space<vmem>>)
    %add3A_159 = arith.constant 127 : i32
    %add3A_160 = arith.addi %mul3A_2, %add3A_159 : i32
    %dma_start3A_161 = arith.constant 7 : i32
    %dma_start3A_162 = arith.constant 0 : i32
    %dma_start3A_163 = arith.constant 0 : i32
    %dma_start3A_164 = tpu.memref_slice %arg6[%dma_start3A_161, %dma_start3A_162, %dma_start3A_163] : memref<8x50x128xf32, #tpu.memory_space<vmem>> -> memref<1x50x128xf32, #tpu.memory_space<vmem>>
    %dma_start3A_165 = tpu.memref_squeeze %dma_start3A_164 : memref<1x50x128xf32, #tpu.memory_space<vmem>> -> memref<50x128xf32, #tpu.memory_space<vmem>>
    %dma_start3A_166 = arith.constant 0 : i32
    %dma_start3A_167 = arith.constant 0 : i32
    %dma_start3A_168 = tpu.memref_slice %arg4[%add3A_160, %dma_start3A_166, %dma_start3A_167] : memref<4096x50x128xf32, #tpu.memory_space<hbm>> -> memref<1x50x128xf32, #tpu.memory_space<hbm>>
    %dma_start3A_169 = tpu.memref_squeeze %dma_start3A_168 : memref<1x50x128xf32, #tpu.memory_space<hbm>> -> memref<50x128xf32, #tpu.memory_space<hbm>>
    %dma_start3A_170 = arith.constant 0 : i32
    %dma_start3A_171 = arith.constant 0 : i32
    %dma_start3A_172 = tpu.memref_slice %arg4[%add3A_160, %dma_start3A_170, %dma_start3A_171] : memref<4096x50x128xf32, #tpu.memory_space<hbm>> -> memref<1x50x128xf32, #tpu.memory_space<hbm>>
    %dma_start3A_173 = tpu.memref_squeeze %dma_start3A_172 : memref<1x50x128xf32, #tpu.memory_space<hbm>> -> memref<50x128xf32, #tpu.memory_space<hbm>>
    %dma_start3A_174 = arith.constant 0 : i32
    %dma_start3A_175 = arith.constant 0 : i32
    %dma_start3A_176 = tpu.memref_slice %arg6[%dma_start3A_161, %dma_start3A_174, %dma_start3A_175] : memref<8x50x128xf32, #tpu.memory_space<vmem>> -> memref<1x50x128xf32, #tpu.memory_space<vmem>>
    %dma_start3A_177 = tpu.memref_squeeze %dma_start3A_176 : memref<1x50x128xf32, #tpu.memory_space<vmem>> -> memref<50x128xf32, #tpu.memory_space<vmem>>
    tpu.enqueue_dma source(%dma_start3A_177 : memref<50x128xf32, #tpu.memory_space<vmem>>) target(%dma_start3A_173 : memref<50x128xf32, #tpu.memory_space<hbm>>) target_semaphore(%arg15 : memref<!tpu.dma_semaphore, #tpu.memory_space<semaphore_mem>>)
    %dma_wait3A_178 = arith.constant 0 : i32
    %dma_wait3A_179 = arith.constant 0 : i32
    %dma_wait3A_180 = arith.constant 0 : i32
    %dma_wait3A_181 = tpu.memref_slice %arg6[%dma_wait3A_178, %dma_wait3A_179, %dma_wait3A_180] : memref<8x50x128xf32, #tpu.memory_space<vmem>> -> memref<1x50x128xf32, #tpu.memory_space<vmem>>
    %dma_wait3A_182 = tpu.memref_squeeze %dma_wait3A_181 : memref<1x50x128xf32, #tpu.memory_space<vmem>> -> memref<50x128xf32, #tpu.memory_space<vmem>>
    %dma_wait3A_183 = arith.constant 0 : i32
    %dma_wait3A_184 = arith.constant 0 : i32
    %dma_wait3A_185 = tpu.memref_slice %arg4[%mul3A_2, %dma_wait3A_183, %dma_wait3A_184] : memref<4096x50x128xf32, #tpu.memory_space<hbm>> -> memref<1x50x128xf32, #tpu.memory_space<hbm>>
    %dma_wait3A_186 = tpu.memref_squeeze %dma_wait3A_185 : memref<1x50x128xf32, #tpu.memory_space<hbm>> -> memref<50x128xf32, #tpu.memory_space<hbm>>
    %dma_wait3A_187 = arith.constant 0 : i32
    %dma_wait3A_188 = arith.constant 0 : i32
    %dma_wait3A_189 = tpu.memref_slice %arg4[%mul3A_2, %dma_wait3A_187, %dma_wait3A_188] : memref<4096x50x128xf32, #tpu.memory_space<hbm>> -> memref<1x50x128xf32, #tpu.memory_space<hbm>>
    %dma_wait3A_190 = tpu.memref_squeeze %dma_wait3A_189 : memref<1x50x128xf32, #tpu.memory_space<hbm>> -> memref<50x128xf32, #tpu.memory_space<hbm>>
    %dma_wait3A_191 = arith.constant 0 : i32
    %dma_wait3A_192 = arith.constant 0 : i32
    %dma_wait3A_193 = tpu.memref_slice %arg6[%dma_wait3A_178, %dma_wait3A_191, %dma_wait3A_192] : memref<8x50x128xf32, #tpu.memory_space<vmem>> -> memref<1x50x128xf32, #tpu.memory_space<vmem>>
    %dma_wait3A_194 = tpu.memref_squeeze %dma_wait3A_193 : memref<1x50x128xf32, #tpu.memory_space<vmem>> -> memref<50x128xf32, #tpu.memory_space<vmem>>
    tpu.wait_dma2 semaphore(%arg8 : memref<!tpu.dma_semaphore, #tpu.memory_space<semaphore_mem>>) src(%dma_wait3A_194 : memref<50x128xf32, #tpu.memory_space<vmem>>) dst(%dma_wait3A_190 : memref<50x128xf32, #tpu.memory_space<hbm>>)
    %dma_wait3A_195 = arith.constant 1 : i32
    %dma_wait3A_196 = arith.constant 0 : i32
    %dma_wait3A_197 = arith.constant 0 : i32
    %dma_wait3A_198 = tpu.memref_slice %arg6[%dma_wait3A_195, %dma_wait3A_196, %dma_wait3A_197] : memref<8x50x128xf32, #tpu.memory_space<vmem>> -> memref<1x50x128xf32, #tpu.memory_space<vmem>>
    %dma_wait3A_199 = tpu.memref_squeeze %dma_wait3A_198 : memref<1x50x128xf32, #tpu.memory_space<vmem>> -> memref<50x128xf32, #tpu.memory_space<vmem>>
    %dma_wait3A_200 = arith.constant 0 : i32
    %dma_wait3A_201 = arith.constant 0 : i32
    %dma_wait3A_202 = tpu.memref_slice %arg4[%mul3A_2, %dma_wait3A_200, %dma_wait3A_201] : memref<4096x50x128xf32, #tpu.memory_space<hbm>> -> memref<1x50x128xf32, #tpu.memory_space<hbm>>
    %dma_wait3A_203 = tpu.memref_squeeze %dma_wait3A_202 : memref<1x50x128xf32, #tpu.memory_space<hbm>> -> memref<50x128xf32, #tpu.memory_space<hbm>>
    %dma_wait3A_204 = arith.constant 0 : i32
    %dma_wait3A_205 = arith.constant 0 : i32
    %dma_wait3A_206 = tpu.memref_slice %arg4[%mul3A_2, %dma_wait3A_204, %dma_wait3A_205] : memref<4096x50x128xf32, #tpu.memory_space<hbm>> -> memref<1x50x128xf32, #tpu.memory_space<hbm>>
    %dma_wait3A_207 = tpu.memref_squeeze %dma_wait3A_206 : memref<1x50x128xf32, #tpu.memory_space<hbm>> -> memref<50x128xf32, #tpu.memory_space<hbm>>
    %dma_wait3A_208 = arith.constant 0 : i32
    %dma_wait3A_209 = arith.constant 0 : i32
    %dma_wait3A_210 = tpu.memref_slice %arg6[%dma_wait3A_195, %dma_wait3A_208, %dma_wait3A_209] : memref<8x50x128xf32, #tpu.memory_space<vmem>> -> memref<1x50x128xf32, #tpu.memory_space<vmem>>
    %dma_wait3A_211 = tpu.memref_squeeze %dma_wait3A_210 : memref<1x50x128xf32, #tpu.memory_space<vmem>> -> memref<50x128xf32, #tpu.memory_space<vmem>>
    tpu.wait_dma2 semaphore(%arg9 : memref<!tpu.dma_semaphore, #tpu.memory_space<semaphore_mem>>) src(%dma_wait3A_211 : memref<50x128xf32, #tpu.memory_space<vmem>>) dst(%dma_wait3A_207 : memref<50x128xf32, #tpu.memory_space<hbm>>)
    %dma_wait3A_212 = arith.constant 2 : i32
    %dma_wait3A_213 = arith.constant 0 : i32
    %dma_wait3A_214 = arith.constant 0 : i32
    %dma_wait3A_215 = tpu.memref_slice %arg6[%dma_wait3A_212, %dma_wait3A_213, %dma_wait3A_214] : memref<8x50x128xf32, #tpu.memory_space<vmem>> -> memref<1x50x128xf32, #tpu.memory_space<vmem>>
    %dma_wait3A_216 = tpu.memref_squeeze %dma_wait3A_215 : memref<1x50x128xf32, #tpu.memory_space<vmem>> -> memref<50x128xf32, #tpu.memory_space<vmem>>
    %dma_wait3A_217 = arith.constant 0 : i32
    %dma_wait3A_218 = arith.constant 0 : i32
    %dma_wait3A_219 = tpu.memref_slice %arg4[%mul3A_2, %dma_wait3A_217, %dma_wait3A_218] : memref<4096x50x128xf32, #tpu.memory_space<hbm>> -> memref<1x50x128xf32, #tpu.memory_space<hbm>>
    %dma_wait3A_220 = tpu.memref_squeeze %dma_wait3A_219 : memref<1x50x128xf32, #tpu.memory_space<hbm>> -> memref<50x128xf32, #tpu.memory_space<hbm>>
    %dma_wait3A_221 = arith.constant 0 : i32
    %dma_wait3A_222 = arith.constant 0 : i32
    %dma_wait3A_223 = tpu.memref_slice %arg4[%mul3A_2, %dma_wait3A_221, %dma_wait3A_222] : memref<4096x50x128xf32, #tpu.memory_space<hbm>> -> memref<1x50x128xf32, #tpu.memory_space<hbm>>
    %dma_wait3A_224 = tpu.memref_squeeze %dma_wait3A_223 : memref<1x50x128xf32, #tpu.memory_space<hbm>> -> memref<50x128xf32, #tpu.memory_space<hbm>>
    %dma_wait3A_225 = arith.constant 0 : i32
    %dma_wait3A_226 = arith.constant 0 : i32
    %dma_wait3A_227 = tpu.memref_slice %arg6[%dma_wait3A_212, %dma_wait3A_225, %dma_wait3A_226] : memref<8x50x128xf32, #tpu.memory_space<vmem>> -> memref<1x50x128xf32, #tpu.memory_space<vmem>>
    %dma_wait3A_228 = tpu.memref_squeeze %dma_wait3A_227 : memref<1x50x128xf32, #tpu.memory_space<vmem>> -> memref<50x128xf32, #tpu.memory_space<vmem>>
    tpu.wait_dma2 semaphore(%arg10 : memref<!tpu.dma_semaphore, #tpu.memory_space<semaphore_mem>>) src(%dma_wait3A_228 : memref<50x128xf32, #tpu.memory_space<vmem>>) dst(%dma_wait3A_224 : memref<50x128xf32, #tpu.memory_space<hbm>>)
    %dma_wait3A_229 = arith.constant 3 : i32
    %dma_wait3A_230 = arith.constant 0 : i32
    %dma_wait3A_231 = arith.constant 0 : i32
    %dma_wait3A_232 = tpu.memref_slice %arg6[%dma_wait3A_229, %dma_wait3A_230, %dma_wait3A_231] : memref<8x50x128xf32, #tpu.memory_space<vmem>> -> memref<1x50x128xf32, #tpu.memory_space<vmem>>
    %dma_wait3A_233 = tpu.memref_squeeze %dma_wait3A_232 : memref<1x50x128xf32, #tpu.memory_space<vmem>> -> memref<50x128xf32, #tpu.memory_space<vmem>>
    %dma_wait3A_234 = arith.constant 0 : i32
    %dma_wait3A_235 = arith.constant 0 : i32
    %dma_wait3A_236 = tpu.memref_slice %arg4[%mul3A_2, %dma_wait3A_234, %dma_wait3A_235] : memref<4096x50x128xf32, #tpu.memory_space<hbm>> -> memref<1x50x128xf32, #tpu.memory_space<hbm>>
    %dma_wait3A_237 = tpu.memref_squeeze %dma_wait3A_236 : memref<1x50x128xf32, #tpu.memory_space<hbm>> -> memref<50x128xf32, #tpu.memory_space<hbm>>
    %dma_wait3A_238 = arith.constant 0 : i32
    %dma_wait3A_239 = arith.constant 0 : i32
    %dma_wait3A_240 = tpu.memref_slice %arg4[%mul3A_2, %dma_wait3A_238, %dma_wait3A_239] : memref<4096x50x128xf32, #tpu.memory_space<hbm>> -> memref<1x50x128xf32, #tpu.memory_space<hbm>>
    %dma_wait3A_241 = tpu.memref_squeeze %dma_wait3A_240 : memref<1x50x128xf32, #tpu.memory_space<hbm>> -> memref<50x128xf32, #tpu.memory_space<hbm>>
    %dma_wait3A_242 = arith.constant 0 : i32
    %dma_wait3A_243 = arith.constant 0 : i32
    %dma_wait3A_244 = tpu.memref_slice %arg6[%dma_wait3A_229, %dma_wait3A_242, %dma_wait3A_243] : memref<8x50x128xf32, #tpu.memory_space<vmem>> -> memref<1x50x128xf32, #tpu.memory_space<vmem>>
    %dma_wait3A_245 = tpu.memref_squeeze %dma_wait3A_244 : memref<1x50x128xf32, #tpu.memory_space<vmem>> -> memref<50x128xf32, #tpu.memory_space<vmem>>
    tpu.wait_dma2 semaphore(%arg11 : memref<!tpu.dma_semaphore, #tpu.memory_space<semaphore_mem>>) src(%dma_wait3A_245 : memref<50x128xf32, #tpu.memory_space<vmem>>) dst(%dma_wait3A_241 : memref<50x128xf32, #tpu.memory_space<hbm>>)
    %dma_wait3A_246 = arith.constant 4 : i32
    %dma_wait3A_247 = arith.constant 0 : i32
    %dma_wait3A_248 = arith.constant 0 : i32
    %dma_wait3A_249 = tpu.memref_slice %arg6[%dma_wait3A_246, %dma_wait3A_247, %dma_wait3A_248] : memref<8x50x128xf32, #tpu.memory_space<vmem>> -> memref<1x50x128xf32, #tpu.memory_space<vmem>>
    %dma_wait3A_250 = tpu.memref_squeeze %dma_wait3A_249 : memref<1x50x128xf32, #tpu.memory_space<vmem>> -> memref<50x128xf32, #tpu.memory_space<vmem>>
    %dma_wait3A_251 = arith.constant 0 : i32
    %dma_wait3A_252 = arith.constant 0 : i32
    %dma_wait3A_253 = tpu.memref_slice %arg4[%mul3A_2, %dma_wait3A_251, %dma_wait3A_252] : memref<4096x50x128xf32, #tpu.memory_space<hbm>> -> memref<1x50x128xf32, #tpu.memory_space<hbm>>
    %dma_wait3A_254 = tpu.memref_squeeze %dma_wait3A_253 : memref<1x50x128xf32, #tpu.memory_space<hbm>> -> memref<50x128xf32, #tpu.memory_space<hbm>>
    %dma_wait3A_255 = arith.constant 0 : i32
    %dma_wait3A_256 = arith.constant 0 : i32
    %dma_wait3A_257 = tpu.memref_slice %arg4[%mul3A_2, %dma_wait3A_255, %dma_wait3A_256] : memref<4096x50x128xf32, #tpu.memory_space<hbm>> -> memref<1x50x128xf32, #tpu.memory_space<hbm>>
    %dma_wait3A_258 = tpu.memref_squeeze %dma_wait3A_257 : memref<1x50x128xf32, #tpu.memory_space<hbm>> -> memref<50x128xf32, #tpu.memory_space<hbm>>
    %dma_wait3A_259 = arith.constant 0 : i32
    %dma_wait3A_260 = arith.constant 0 : i32
    %dma_wait3A_261 = tpu.memref_slice %arg6[%dma_wait3A_246, %dma_wait3A_259, %dma_wait3A_260] : memref<8x50x128xf32, #tpu.memory_space<vmem>> -> memref<1x50x128xf32, #tpu.memory_space<vmem>>
    %dma_wait3A_262 = tpu.memref_squeeze %dma_wait3A_261 : memref<1x50x128xf32, #tpu.memory_space<vmem>> -> memref<50x128xf32, #tpu.memory_space<vmem>>
    tpu.wait_dma2 semaphore(%arg12 : memref<!tpu.dma_semaphore, #tpu.memory_space<semaphore_mem>>) src(%dma_wait3A_262 : memref<50x128xf32, #tpu.memory_space<vmem>>) dst(%dma_wait3A_258 : memref<50x128xf32, #tpu.memory_space<hbm>>)
    %dma_wait3A_263 = arith.constant 5 : i32
    %dma_wait3A_264 = arith.constant 0 : i32
    %dma_wait3A_265 = arith.constant 0 : i32
    %dma_wait3A_266 = tpu.memref_slice %arg6[%dma_wait3A_263, %dma_wait3A_264, %dma_wait3A_265] : memref<8x50x128xf32, #tpu.memory_space<vmem>> -> memref<1x50x128xf32, #tpu.memory_space<vmem>>
    %dma_wait3A_267 = tpu.memref_squeeze %dma_wait3A_266 : memref<1x50x128xf32, #tpu.memory_space<vmem>> -> memref<50x128xf32, #tpu.memory_space<vmem>>
    %dma_wait3A_268 = arith.constant 0 : i32
    %dma_wait3A_269 = arith.constant 0 : i32
    %dma_wait3A_270 = tpu.memref_slice %arg4[%mul3A_2, %dma_wait3A_268, %dma_wait3A_269] : memref<4096x50x128xf32, #tpu.memory_space<hbm>> -> memref<1x50x128xf32, #tpu.memory_space<hbm>>
    %dma_wait3A_271 = tpu.memref_squeeze %dma_wait3A_270 : memref<1x50x128xf32, #tpu.memory_space<hbm>> -> memref<50x128xf32, #tpu.memory_space<hbm>>
    %dma_wait3A_272 = arith.constant 0 : i32
    %dma_wait3A_273 = arith.constant 0 : i32
    %dma_wait3A_274 = tpu.memref_slice %arg4[%mul3A_2, %dma_wait3A_272, %dma_wait3A_273] : memref<4096x50x128xf32, #tpu.memory_space<hbm>> -> memref<1x50x128xf32, #tpu.memory_space<hbm>>
    %dma_wait3A_275 = tpu.memref_squeeze %dma_wait3A_274 : memref<1x50x128xf32, #tpu.memory_space<hbm>> -> memref<50x128xf32, #tpu.memory_space<hbm>>
    %dma_wait3A_276 = arith.constant 0 : i32
    %dma_wait3A_277 = arith.constant 0 : i32
    %dma_wait3A_278 = tpu.memref_slice %arg6[%dma_wait3A_263, %dma_wait3A_276, %dma_wait3A_277] : memref<8x50x128xf32, #tpu.memory_space<vmem>> -> memref<1x50x128xf32, #tpu.memory_space<vmem>>
    %dma_wait3A_279 = tpu.memref_squeeze %dma_wait3A_278 : memref<1x50x128xf32, #tpu.memory_space<vmem>> -> memref<50x128xf32, #tpu.memory_space<vmem>>
    tpu.wait_dma2 semaphore(%arg13 : memref<!tpu.dma_semaphore, #tpu.memory_space<semaphore_mem>>) src(%dma_wait3A_279 : memref<50x128xf32, #tpu.memory_space<vmem>>) dst(%dma_wait3A_275 : memref<50x128xf32, #tpu.memory_space<hbm>>)
    %dma_wait3A_280 = arith.constant 6 : i32
    %dma_wait3A_281 = arith.constant 0 : i32
    %dma_wait3A_282 = arith.constant 0 : i32
    %dma_wait3A_283 = tpu.memref_slice %arg6[%dma_wait3A_280, %dma_wait3A_281, %dma_wait3A_282] : memref<8x50x128xf32, #tpu.memory_space<vmem>> -> memref<1x50x128xf32, #tpu.memory_space<vmem>>
    %dma_wait3A_284 = tpu.memref_squeeze %dma_wait3A_283 : memref<1x50x128xf32, #tpu.memory_space<vmem>> -> memref<50x128xf32, #tpu.memory_space<vmem>>
    %dma_wait3A_285 = arith.constant 0 : i32
    %dma_wait3A_286 = arith.constant 0 : i32
    %dma_wait3A_287 = tpu.memref_slice %arg4[%mul3A_2, %dma_wait3A_285, %dma_wait3A_286] : memref<4096x50x128xf32, #tpu.memory_space<hbm>> -> memref<1x50x128xf32, #tpu.memory_space<hbm>>
    %dma_wait3A_288 = tpu.memref_squeeze %dma_wait3A_287 : memref<1x50x128xf32, #tpu.memory_space<hbm>> -> memref<50x128xf32, #tpu.memory_space<hbm>>
    %dma_wait3A_289 = arith.constant 0 : i32
    %dma_wait3A_290 = arith.constant 0 : i32
    %dma_wait3A_291 = tpu.memref_slice %arg4[%mul3A_2, %dma_wait3A_289, %dma_wait3A_290] : memref<4096x50x128xf32, #tpu.memory_space<hbm>> -> memref<1x50x128xf32, #tpu.memory_space<hbm>>
    %dma_wait3A_292 = tpu.memref_squeeze %dma_wait3A_291 : memref<1x50x128xf32, #tpu.memory_space<hbm>> -> memref<50x128xf32, #tpu.memory_space<hbm>>
    %dma_wait3A_293 = arith.constant 0 : i32
    %dma_wait3A_294 = arith.constant 0 : i32
    %dma_wait3A_295 = tpu.memref_slice %arg6[%dma_wait3A_280, %dma_wait3A_293, %dma_wait3A_294] : memref<8x50x128xf32, #tpu.memory_space<vmem>> -> memref<1x50x128xf32, #tpu.memory_space<vmem>>
    %dma_wait3A_296 = tpu.memref_squeeze %dma_wait3A_295 : memref<1x50x128xf32, #tpu.memory_space<vmem>> -> memref<50x128xf32, #tpu.memory_space<vmem>>
    tpu.wait_dma2 semaphore(%arg14 : memref<!tpu.dma_semaphore, #tpu.memory_space<semaphore_mem>>) src(%dma_wait3A_296 : memref<50x128xf32, #tpu.memory_space<vmem>>) dst(%dma_wait3A_292 : memref<50x128xf32, #tpu.memory_space<hbm>>)
    %dma_wait3A_297 = arith.constant 7 : i32
    %dma_wait3A_298 = arith.constant 0 : i32
    %dma_wait3A_299 = arith.constant 0 : i32
    %dma_wait3A_300 = tpu.memref_slice %arg6[%dma_wait3A_297, %dma_wait3A_298, %dma_wait3A_299] : memref<8x50x128xf32, #tpu.memory_space<vmem>> -> memref<1x50x128xf32, #tpu.memory_space<vmem>>
    %dma_wait3A_301 = tpu.memref_squeeze %dma_wait3A_300 : memref<1x50x128xf32, #tpu.memory_space<vmem>> -> memref<50x128xf32, #tpu.memory_space<vmem>>
    %dma_wait3A_302 = arith.constant 0 : i32
    %dma_wait3A_303 = arith.constant 0 : i32
    %dma_wait3A_304 = tpu.memref_slice %arg4[%mul3A_2, %dma_wait3A_302, %dma_wait3A_303] : memref<4096x50x128xf32, #tpu.memory_space<hbm>> -> memref<1x50x128xf32, #tpu.memory_space<hbm>>
    %dma_wait3A_305 = tpu.memref_squeeze %dma_wait3A_304 : memref<1x50x128xf32, #tpu.memory_space<hbm>> -> memref<50x128xf32, #tpu.memory_space<hbm>>
    %dma_wait3A_306 = arith.constant 0 : i32
    %dma_wait3A_307 = arith.constant 0 : i32
    %dma_wait3A_308 = tpu.memref_slice %arg4[%mul3A_2, %dma_wait3A_306, %dma_wait3A_307] : memref<4096x50x128xf32, #tpu.memory_space<hbm>> -> memref<1x50x128xf32, #tpu.memory_space<hbm>>
    %dma_wait3A_309 = tpu.memref_squeeze %dma_wait3A_308 : memref<1x50x128xf32, #tpu.memory_space<hbm>> -> memref<50x128xf32, #tpu.memory_space<hbm>>
    %dma_wait3A_310 = arith.constant 0 : i32
    %dma_wait3A_311 = arith.constant 0 : i32
    %dma_wait3A_312 = tpu.memref_slice %arg6[%dma_wait3A_297, %dma_wait3A_310, %dma_wait3A_311] : memref<8x50x128xf32, #tpu.memory_space<vmem>> -> memref<1x50x128xf32, #tpu.memory_space<vmem>>
    %dma_wait3A_313 = tpu.memref_squeeze %dma_wait3A_312 : memref<1x50x128xf32, #tpu.memory_space<vmem>> -> memref<50x128xf32, #tpu.memory_space<vmem>>
    tpu.wait_dma2 semaphore(%arg15 : memref<!tpu.dma_semaphore, #tpu.memory_space<semaphore_mem>>) src(%dma_wait3A_313 : memref<50x128xf32, #tpu.memory_space<vmem>>) dst(%dma_wait3A_309 : memref<50x128xf32, #tpu.memory_space<hbm>>)
    return
  }
}

</mosaic_0001>

<sc_bundles>
// kernel: kernel.3.cloned.1.call-start
scs
__scs_entry_jumppad:
0x0: {  	(pc) =	sbr.rel $0x88, $3  }
0x1: {  	(tag) =	ssettag $0x0;
	lr =	simm.s32 $0x1  }
0x2: {  	[smem:$0x3F9F] =	sst lr;
	_ =	strace $0xD0000000  }
0x3: {  	_ = 	snop  }
0x4: {  	_ = 	snop  }
0x5: {  	_ = 	snop  }
0x6: {  	_ = 	snop  }
0x7: {  	_ = 	snop  }
__scs_overlays_trampoline_lowered:
0x8: {  	[smem:$0x3FAE] =	sst s0  }
0x9: {  	[smem:$0x3FAF] =	sst s1  }
0xa: {  	[smem:$0x3FB0] =	sst s2  }
0xb: {  	[smem:$0x3FB1] =	sst s3  }
0xc: {  	[smem:$0x3FB2] =	sst s4  }
0xd: {  	[smem:$0x3FB3] =	sst s5  }
0xe: {  	[smem:$0x3FB4] =	sst s6  }
0xf: {  	[smem:$0x3FB5] =	sst s7  }
0x10: {  	[smem:$0x3FB6] =	sst s8  }
0x11: {  	[smem:$0x3FB7] =	sst s9;
	s0 =	simm.s32 @!p0 $0x0  }
0x12: {  	s1 =	sld [smem:$0x3F9D];
	s0 =	simm.s32 @p0 $0x1  }
0x13: {  	[smem:$0x3FB8] =	sst s0;
	s0 =	simm.s32 @!p1 $0x0  }
0x14: {  	s2 =	sld [smem:$0x3F9C];
	s0 =	simm.s32 @p1 $0x1  }
0x15: {  	[smem:$0x3FB9] =	sst s0;
	s0 =	simm.s32 @!p2 $0x0  }
0x16: {  	s3 =	sld [smem:$0x3FDB];
	s0 =	simm.s32 @p2 $0x1  }
0x17: {  	s4 =	simm.s32 $0x1BF5;
	[smem:$0x3FBB] =	sst s0  }
0x18: {  	s0 =	sld [smem:$0x3F9E];
	_ =	swait.ge [sflag:s4], $0x0  }
0x19: {  	s7 =	sld [smem:$0x3F9F]  }
0x1a: {  	s8 =	sadd.s32 $0xFFFFE003, lr  }
0x1b: {  	s9 =	sadd.s32 $0xFFFFFEF7, lr;
	s5 =	simm.s32 $0xFFFFFFFF;
	p2 =	slt.u32 s8, $0xFFFFF086  }
0x1c: {  	p1 =	slt.u32 s9, $0xF7A;
	s5 =	simm.s32 @!p2 $0x0  }
0x1d: {  	s5 =	simm.s32 @p1 $0x1;
	p0 =	seq.s32 s7, s2  }
0x1e: {  	s7 =	smul.u32 @!p0 $0xF7A, s2;
	p2 =	seq.s32 @!p0 s5, $0x0  }
0x1f: {  	s9 =	smul.u32 $0xF7A, s1;
	s8 =	simm.s32 @!p0 $0x1BF5;
	p2 =	por !p2, p0  }
0x20: {  	[sflag:s8] =	ssyncset.s32 @!p0 $0xFFFFF086;
	s6 =	sadd.s32 @!p0 s3, s7;
	s7 =	simm.s32 @!p0 $0x108  }
0x21: {  	s3 =	sadd.s32 s3, s9;
	s6 =	sadd.s32 @!p0 $0x88, s6;
	s7 =	simm.s32 @p2 $0x1082  }
0x22: {  	[simem:s7], [sflag:s8] =	dma.local @!p0 [hbm:s6], $0xF7A  }
0x23: {  	s9 =	sor.u32 $0xD0000000, s2;
	s6 =	simm.s32 $0x108;
	_ =	swait.ge @!p0 [sflag:s8], $0x0  }
0x24: {  	s3 =	sadd.s32 $0x88, s3;
	s6 =	simm.s32 @!p1 $0x1082;
	[sflag:s4] =	ssyncset.s32 $0xFFFFF086  }
0x25: {  	[simem:s6], [sflag:s4] =	dma.local [hbm:s3], $0xF7A  }
0x26: {  	[smem:$0x3F9F] =	sst s1;
	(tag) =	ssettag s2;
	_ =	strace s9  }
0x27: {  	s1 =	sld [smem:$0x3FAF]  }
0x28: {  	s2 =	sld [smem:$0x3FB0]  }
0x29: {  	s4 =	sld [smem:$0x3FB2]  }
0x2a: {  	p0 =	seq.s32 s5, $0x0;
	s5 =	sld [smem:$0x3FB3]  }
0x2b: {  	s6 =	sld [smem:$0x3FB4]  }
0x2c: {  	s7 =	sld [smem:$0x3FB5]  }
0x2d: {  	s3 =	simm.s32 $0x108;
	s8 =	sld [smem:$0x3FB6]  }
0x2e: {  	s3 =	simm.s32 @!p0 $0x1082;
	s9 =	sld [smem:$0x3FB7]  }
0x2f: {  	lr =	sadd.s32 s0, s3;
	s0 =	sld [smem:$0x3FAE]  }
0x30: {  	s3 =	sld [smem:$0x3FB1]  }
0x31: {  	[smem:$0x3FBA] =	sst s10  }
0x32: {  	s10 =	sld [smem:$0x3FB8];
	_ =	sdelay $0x3  }
0x33: {  	p0 =	seq.s32 s10, $0x1;
	s10 =	sld [smem:$0x3FBA];
	_ =	sdelay $0x3  }
0x34: {  	[smem:$0x3FBA] =	sst s10  }
0x35: {  	s10 =	sld [smem:$0x3FB9];
	_ =	sdelay $0x3  }
0x36: {  	p1 =	seq.s32 s10, $0x1;
	s10 =	sld [smem:$0x3FBA];
	_ =	sdelay $0x3  }
0x37: {  	[smem:$0x3FBA] =	sst s10  }
0x38: {  	s10 =	sld [smem:$0x3FBB]  }
0x39: {  	_ = 	snop;
	(pc) =	sbr.ind lr, $3  }
0x3a: {  	_ = 	snop  }
0x3b: {  	_ = 	snop  }
0x3c: {  	p2 =	seq.s32 s10, $0x1;
	s10 =	sld [smem:$0x3FBA]  }
0x3d: {  	_ =	shalt  }
0x3e: {  	_ =	shalt  }
0x3f: {  	_ =	shalt  }
0x40: {  	_ =	shalt  }
0x41: {  	_ =	shalt  }
0x42: {  	_ =	shalt  }
0x43: {  	_ =	shalt  }
0x44: {  	_ =	shalt  }
0x45: {  	_ =	shalt  }
0x46: {  	_ =	shalt  }
0x47: {  	_ =	shalt  }
0x48: {  	_ =	shalt  }
0x49: {  	_ =	shalt  }
0x4a: {  	_ =	shalt  }
0x4b: {  	_ =	shalt  }
0x4c: {  	_ =	shalt  }
0x4d: {  	_ =	shalt  }
0x4e: {  	_ =	shalt  }
0x4f: {  	_ =	shalt  }
0x50: {  	_ =	shalt  }
0x51: {  	_ =	shalt  }
0x52: {  	_ =	shalt  }
0x53: {  	_ =	shalt  }
0x54: {  	_ =	shalt  }
0x55: {  	_ =	shalt  }
0x56: {  	_ =	shalt  }
0x57: {  	_ =	shalt  }
0x58: {  	_ =	shalt  }
0x59: {  	_ =	shalt  }
0x5a: {  	_ =	shalt  }
0x5b: {  	_ =	shalt  }
0x5c: {  	_ =	shalt  }
0x5d: {  	_ =	shalt  }
0x5e: {  	_ =	shalt  }
0x5f: {  	_ =	shalt  }
0x60: {  	_ =	shalt  }
0x61: {  	_ =	shalt  }
0x62: {  	_ =	shalt  }
0x63: {  	_ =	shalt  }
0x64: {  	_ =	shalt  }
0x65: {  	_ =	shalt  }
0x66: {  	_ =	shalt  }
0x67: {  	_ =	shalt  }
0x68: {  	_ =	shalt  }
0x69: {  	_ =	shalt  }
0x6a: {  	_ =	shalt  }
0x6b: {  	_ =	shalt  }
0x6c: {  	_ =	shalt  }
0x6d: {  	_ =	shalt  }
0x6e: {  	_ =	shalt  }
0x6f: {  	_ =	shalt  }
0x70: {  	_ =	shalt  }
0x71: {  	_ =	shalt  }
0x72: {  	_ =	shalt  }
0x73: {  	_ =	shalt  }
0x74: {  	_ =	shalt  }
0x75: {  	_ =	shalt  }
0x76: {  	_ =	shalt  }
0x77: {  	_ =	shalt  }
0x78: {  	_ =	shalt  }
0x79: {  	_ =	shalt  }
0x7a: {  	_ =	shalt  }
0x7b: {  	_ =	shalt  }
0x7c: {  	_ =	shalt  }
0x7d: {  	_ =	shalt  }
0x7e: {  	_ =	shalt  }
0x7f: {  	_ =	shalt  }
0x80: {  	_ =	shalt  }
0x81: {  	_ =	shalt  }
0x82: {  	_ =	shalt  }
0x83: {  	_ =	shalt  }
0x84: {  	_ =	shalt  }
0x85: {  	_ =	shalt  }
0x86: {  	_ =	shalt  }
0x87: {  	_ =	shalt  }
.Lfunc_end0:
.L_simem_size_0:
called_computation_lowered:
.L_overlay_start_0:
0x88: {  	s2 =	sld [smem:$0x3FD9]  }
0x89: {  	s3 =	sld [smem:$0x3FFE];
	_ =	sdelay $0x1  }
0x8a: {  	s1 =	srdreg.scid  }
0x8b: {  	s0 =	sand.u32 $0x1, s1  }
0x8c: {  	s17 =	sshll.u32 s0, $0xA;
	s2 =	sadd.s32 s3, s2  }
0x8d: {  	s2 =	sadd.s32 s2, s17  }
0x8e: {  	[smem:$0x3FC6] =	sst s2  }
0x8f: {  	_ = 	snop  }
0x90: {  	s2 =	sld [smem:$0x3FC8]  }
0x91: {  	s18 =	sld [smem:$0x3FD0];
	(tm) =	ssettm $0x1  }
0x92: {  	s4 =	sld [smem:$0x3FFB];
	_ =	sdelay $0x3  }
0x93: {  	_ =	strace s4  }
0x94: {  	s4 =	sld [smem:$0x3FFC];
	_ =	sdelay $0x3  }
0x95: {  	_ =	strace s4  }
0x96: {  	s4 =	sld [smem:$0x3FFD];
	_ =	sdelay $0x3  }
0x97: {  	_ =	strace s4  }
0x98: {  	_ =	strace $0x8FFFFFFF  }
0x99: {  	s19 =	sld [smem:$0x3FDB];
	_ =	sdelay $0x1  }
0x9a: {  	s5 =	simm.s32 $_scs_section_size  }
0x9b: {  	s6 =	simm.s32 $_size__tile_overlayer_lowered;
	s7 =	simm.s32 $_tile_overlayer_lowered  }
0x9c: {  	s22 =	simm.s32 $0x1BFF;
	s21 =	sshll.u32 s7, $0x1;
	s4 =	sadd.s32 s5, s19  }
0x9d: {  	s8 =	simm.s32 $0x0;
	s20 =	sshll.u32 s6, $0x1;
	s6 =	sadd.s32 s21, s4  }
0x9e: {  	[timem:s8], [sflag:s22] =	dma.local [hbm:s6], s20  }
0x9f: {  	_ =	swait.ge [sflag:s22], s20  }
0xa0: {  	s5 =	ssub.s32 $0x0, s20;
	[sflag:s22] =	ssyncset.done $0x0  }
0xa1: {  	[sflag:s22] =	ssyncadd.s32 s5;
	_ =	sdelay $0x1  }
0xa2: {  	s23 =	simm.s32 $0x1B8B  }
0xa3: {  	_ =	swait.ge [sflag:s23], $0x1  }
0xa4: {  	[sflag:s23] =	ssyncset.done $0x0  }
0xa5: {  	s25 =	simm.s32 $0x1B8E;
	s24 =	sld [smem:$0x3FFE];
	[sflag:s23] =	ssyncadd.s32 $0xFFFFFFFF  }
0xa6: {  	s26 =	simm.s32 $execute0_lowered;
	[smem:$0x3FD2] =	sst s25  }
0xa7: {  	s6 =	sshll.u32 s26, $0x1;
	_ =	strace $0x80000046;
	[dreg:$0x1] =	wrdreg $0xFFFFFFFF  }
0xa8: {  	s28 =	simm.s32 $_size_execute0_lowered;
	s4 =	sadd.s32 s4, s6;
	[dreg:$0x0] =	wrdreg $0x0  }
0xa9: {  	s6 =	sshll.u32 s28, $0x1;
	[dreg:$0x2] =	wrdreg s4  }
0xaa: {  	[dreg:$0x3] =	wrdreg s6  }
0xab: {  	[dreg:$0x4] =	wrdreg $0xC0  }
0xac: {  	_ =	task [dreg:s8], $0x5FFFF  }
0xad: {  	[dreg:$0x1] =	wrdreg $0xFFFFFFFF  }
0xae: {  	[dreg:$0x0] =	wrdreg $0x60  }
0xaf: {  	[dreg:$0x2] =	wrdreg s18  }
0xb0: {  	[dreg:$0x3] =	wrdreg s2  }
0xb1: {  	[dreg:$0x4] =	wrdreg s24  }
0xb2: {  	[dreg:$0x5] =	wrdreg $0x9  }
0xb3: {  	_ =	task.clear_ibuf [dreg:s8], $0x6FFFF;
	_ =	strace $0x90000046  }
0xb4: {  	s29 =	simm.s32 $0x9;
	_ =	strace $0x80000048  }
0xb5: {  	_ =	swait.ge [sflag:s29], $0x1  }
0xb6: {  	[sflag:s29] =	ssyncadd.s32 $0xFFFFFFFF  }
0xb7: {  	_ =	strace $0x90000048  }
0xb8: {  	_ =	sfence  }
0xb9: {  	s30 =	sld [smem:$0x0];
	_ =	sdelay $0x2  }
0xba: {  	s31 =	sshll.u32 s1, $0xD;
	s1 =	sshrl.u32 s1, $0x2  }
0xbb: {  	s3 =	sand.u32 $0x4000, s31;
	s1 =	sadd.s32 s1, s30  }
0xbc: {  	s0 =	sor.u32 s3, s0;
	s1 =	sshll.u32 s1, $0x11  }
0xbd: {  	s0 =	sor.u32 s1, s0  }
0xbe: {  	s0 =	sadd.s32 $0x8F2B, s0  }
0xbf: {  	[sflag:s0] =	ssyncadd.remote.s32 $0x1  }
0xc0: {  	_ =	sfence.sel $0xFFFF  }
0xc1: {  	[dreg:$0x0] =	wrdreg $0xFFFFFFFF;
	(pc) =	sbr.abs _section_cstart, $3  }
0xc2: {  	[dreg:$0x1] =	wrdreg $0xFFFFFFFF  }
0xc3: {  	_ =	task.clear_ibuf [dreg:s8], $0x2FFFF;
	_ =	strace $0x9FFFFFFF  }
0xc4: {  	(tm) =	ssettm $0x7FFFFFFF  }
0xc5: {  	_ =	shalt  }
tec
execute0_lowered:
.L_overlay_start_1:
0x0: {  	(tag) =	ssettag $0x1  }
0x1: {  	s0 =	rddreg [dreg:$0x0]  }
0x2: {  	s2 =	rddreg [dreg:$0x1];
	s1 =	srdreg.scid  }
0x3: {  	s5 =	rddreg [dreg:$0x2];
	s10 =	stileid.u32;
	s3 =	simm.s32 $0x0  }
0x4: {  	s15 =	simm.s32 $0x32;
	s16 =	simm.s32 $0x4000;
	s28 =	simm.s32 $0x10400  }
0x5: {  	s29 =	simm.s32 $0x2;
	s30 =	simm.s32 $0x3;
	s31 =	simm.s32 $0x4  }
0x6: {  	s1 =	sand.u32 $0x1, s1;
	s4 =	sshll.u32 s10, $0x8;
	s9 =	smul.u32 $0x38000, s10  }
0x7: {  	[smem:$0x7FF] =	sst s3;
	s5 =	sadd.s32 $0x400, s5;
	s22 =	smul.u32 $0x1C0000, s10  }
0x8: {  	s6 =	sshll.u32 s1, $0x7;
	s7 =	ssub.s32 $0x2, s1;
	s20 =	smul.u32 $0x1C000, s1  }
0x9: {  	_ =	strace $0x80000047;
	s1 =	smul.u32 $0xE0000, s1;
	s4 =	sor.u32 s6, s4  }
0xa: {  	s17 =	sshrl.u32 s7, $0x1;
	s9 =	sadd.s32 s9, s5;
	s8 =	smul.u32 $0x1C00, s4  }
0xb: {  	s6 =	ssub.s32 s7, s17;
	s18 =	sshll.u32 s4, $0x4;
	s25 =	sadd.s32 s20, s9  }
0xc: {  	s26 =	sadd.s32 s1, s22;
	s20 =	simm.s32 $0x7800;
	s22 =	simm.s32 $0x9400  }
0xd: {  	s1 =	simm.s32 $0x6;
	s0 =	sadd.s32 s0, s18;
	[dreg:$0xa] =	wrdreg s25  }
0xe: {  	s24 =	smax.u32 s6, $0x1;
	[dreg:$0xb] =	wrdreg s26;
	s8 =	sshrl.u32 s8, $0x3  }
0xf: {  	s18 =	simm.s32 $0x5C00;
	[dreg:$0x4] =	wrdreg s0;
	s19 =	sadd.s32 s5, s8  }
0x10: {  	s25 =	simm.s32 $0xCC00;
	[dreg:$0x9] =	wrdreg s24;
	s8 =	sadd.s32 $0x1B200, s19  }
.Ltmp0:
0x11: {  	s21 =	sadd.s32 $0x1B580, s19;
	[dreg:$0x5] =	wrdreg s8;
	(pc) =	sbr.rel .LBB2_1-.Ltmp0, $4  }
0x12: {  	s26 =	simm.s32 $0xE800;
	s23 =	sadd.s32 $0x1B900, s19;
	[dreg:$0x6] =	wrdreg s21  }
0x13: {  	s6 =	simm.s32 $0x0;
	s0 =	sadd.s32 $0x1BC80, s19;
	[dreg:$0x7] =	wrdreg s23  }
0x14: {  	s24 =	simm.s32 $0x1;
	s19 =	simm.s32 $0x8;
	[dreg:$0x8] =	wrdreg s0  }
0x15: {  	s23 =	simm.s32 $0xB000;
	s0 =	simm.s32 $0x5;
	s21 =	simm.s32 $0x9  }
.LBB2_6:
0x16: {  	_ =	swait.ge [sflag:s24], $0x1900  }
0x17: {  	[sflag:s24] =	ssyncset.done $0x0  }
0x18: {  	s7 =	rddreg [dreg:$0x5];
	[sflag:s24] =	ssyncadd.s32 $0xFFFFE700  }
0x19: {  	[hbm4b:s7+s3] =	stream.linear.scatter [tilespmem:s23], [sflag:$0x6], $0x1900, $0x38;
	[tilespmem:$0x12000] =	vst v63  }
0x1a: {  	_ =	swait.ge [sflag:s24], $0x1900  }
0x1b: {  	[sflag:s24] =	ssyncset.done $0x0  }
0x1c: {  	s11 =	rddreg [dreg:$0x6];
	[sflag:s24] =	ssyncadd.s32 $0xFFFFE700  }
0x1d: {  	[hbm4b:s11+s3] =	stream.linear.scatter [tilespmem:s25], [sflag:$0x7], $0x1900, $0x38;
	[tilespmem:$0x12000] =	vst v63  }
0x1e: {  	_ =	swait.ge [sflag:s24], $0x1900  }
0x1f: {  	[sflag:s24] =	ssyncset.done $0x0  }
0x20: {  	s12 =	rddreg [dreg:$0x7];
	[sflag:s24] =	ssyncadd.s32 $0xFFFFE700  }
0x21: {  	[hbm4b:s12+s3] =	stream.linear.scatter [tilespmem:s26], [sflag:$0x8], $0x1900, $0x38;
	[tilespmem:$0x12000] =	vst v63  }
0x22: {  	_ =	swait.ge [sflag:s24], $0x1900  }
0x23: {  	[sflag:s24] =	ssyncset.done $0x0  }
0x24: {  	s13 =	rddreg [dreg:$0x8];
	[sflag:s24] =	ssyncadd.s32 $0xFFFFE700  }
0x25: {  	[hbm4b:s13+s3] =	stream.linear.scatter [tilespmem:s28], [sflag:$0x9], $0x1900, $0x38;
	[tilespmem:$0x12000] =	vst v63  }
0x26: {  	_ =	swait.ge [sflag:s29], $0x1900  }
0x27: {  	[sflag:s29] =	ssyncset.done $0x0  }
0x28: {  	[sflag:s29] =	ssyncadd.s32 $0xFFFFE700  }
0x29: {  	_ =	swait.ge [sflag:s30], $0x1900  }
0x2a: {  	[sflag:s30] =	ssyncset.done $0x0  }
0x2b: {  	[sflag:s30] =	ssyncadd.s32 $0xFFFFE700  }
0x2c: {  	_ =	swait.ge [sflag:s31], $0x1900  }
0x2d: {  	[sflag:s31] =	ssyncset.done $0x0  }
0x2e: {  	[sflag:s31] =	ssyncadd.s32 $0xFFFFE700  }
0x2f: {  	_ =	swait.ge [sflag:s0], $0x1900  }
0x30: {  	[sflag:s0] =	ssyncset.done $0x0  }
0x31: {  	[sflag:s0] =	ssyncadd.s32 $0xFFFFE700  }
0x32: {  	_ =	swait.ge [sflag:s1], $0x1900  }
0x33: {  	[sflag:s1] =	ssyncset.done $0x0  }
0x34: {  	s14 =	simm.s32 $0x7;
	[sflag:s1] =	ssyncadd.s32 $0xFFFFE700  }
0x35: {  	_ =	swait.ge [sflag:s14], $0x1900  }
0x36: {  	[sflag:s14] =	ssyncset.done $0x0  }
0x37: {  	[sflag:s14] =	ssyncadd.s32 $0xFFFFE700  }
0x38: {  	_ =	swait.ge [sflag:s19], $0x1900  }
0x39: {  	[sflag:s19] =	ssyncset.done $0x0  }
0x3a: {  	[sflag:s19] =	ssyncadd.s32 $0xFFFFE700  }
0x3b: {  	_ =	swait.ge [sflag:s21], $0x1900  }
0x3c: {  	s6 =	sadd.s32 $0x1, s6;
	s17 =	rddreg [dreg:$0x9]  }
0x3d: {  	p0 =	sne.s32 s6, s17  }
.Ltmp1:
0x3e: {  	_ = 	snop;
	(pc) =	sbr.rel @!p0 .LBB2_7-.Ltmp1, $3  }
0x3f: {  	_ =	sdelay $0x1  }
0x40: {  	[sflag:s21] =	ssyncset.done $0x0  }
0x41: {  	[sflag:s21] =	ssyncadd.s32 $0xFFFFE700  }
.LBB2_1:
0x42: {  	s7 =	rddreg [dreg:$0x4];
	s12 =	simm.s32 $0xA  }
0x43: {  	[tilespmem:s3], [sflag:$0xA] =	stream.linear.gather [hbm4b:s7+s3], $0x4000, $0x38;
	[tilespmem:$0x12000] =	vst v63  }
0x44: {  	_ =	swait.ge [sflag:s12], $0x4000  }
0x45: {  	[sflag:s12] =	ssyncset.done $0x0  }
0x46: {  	[sflag:s12] =	ssyncadd.s32 $0xFFFFC000  }
0x47: {  	[tilespmem:s16], [sflag:$0x1] =	stream.indirect.gather [hbm4b:s2+s15], $0x80, s3, s15, $0xb8;
	[tilespmem:$0x12000] =	vst v63  }
0x48: {  	s13 =	simm.s32 $0x80  }
0x49: {  	[tilespmem:s18], [sflag:$0x1] =	stream.indirect.gather [hbm4b:s2+s15], $0x80, s13, s15, $0xb8;
	[tilespmem:$0x12000] =	vst v63  }
.Ltmp2:
0x4a: {  	_ = 	snop;
	(pc) =	sbr.rel .LBB2_2-.Ltmp2, $4  }
0x4b: {  	s14 =	simm.s32 $0x100;
	s17 =	simm.s32 $0x180;
	s12 =	rddreg [dreg:$0xa]  }
0x4c: {  	[tilespmem:s20], [sflag:$0x1] =	stream.indirect.gather [hbm4b:s2+s15], $0x80, s14, s15, $0xb8;
	[tilespmem:$0x12000] =	vst v63  }
0x4d: {  	s7 =	simm.s32 $0x3;
	s13 =	rddreg [dreg:$0xb];
	s14 =	simm.s32 $0x0  }
0x4e: {  	[tilespmem:s22], [sflag:$0x1] =	stream.indirect.gather [hbm4b:s2+s15], $0x80, s17, s15, $0xb8;
	[tilespmem:$0x12000] =	vst v63  }
.LBB2_4:
0x4f: {  	_ =	swait.ge [sflag:s29], $0x1900  }
0x50: {  	[sflag:s29] =	ssyncset.done $0x0  }
0x51: {  	s8 =	sshra.s32 s14, $0x2;
	[sflag:s29] =	ssyncadd.s32 $0xFFFFE700  }
0x52: {  	[tilespmem:s16], [sflag:$0x1] =	stream.indirect.gather [hbm4b:s2+s15], $0x80, s8, s15, $0xb8;
	[tilespmem:$0x12000] =	vst v63  }
0x53: {  	s9 =	sadd.s32 $0xFFFF9000, s13;
	_ =	swait.ge [sflag:s24], $0x1900  }
0x54: {  	s9 =	sshrl.u32 s9, $0x3;
	[sflag:s24] =	ssyncset.done $0x0  }
0x55: {  	s9 =	sadd.s32 s5, s9;
	[sflag:s24] =	ssyncadd.s32 $0xFFFFE700  }
0x56: {  	[hbm4b:s9+s3] =	stream.linear.scatter [tilespmem:s23], [sflag:$0x6], $0x1900, $0x38;
	[tilespmem:$0x12000] =	vst v63  }
0x57: {  	_ =	swait.ge [sflag:s30], $0x1900  }
0x58: {  	[sflag:s30] =	ssyncset.done $0x0  }
0x59: {  	s11 =	sadd.s32 $0x80, s8;
	[sflag:s30] =	ssyncadd.s32 $0xFFFFE700  }
0x5a: {  	[tilespmem:s18], [sflag:$0x1] =	stream.indirect.gather [hbm4b:s2+s15], $0x80, s11, s15, $0xb8;
	[tilespmem:$0x12000] =	vst v63  }
0x5b: {  	s17 =	sadd.s32 $0xFFFFAC00, s13;
	_ =	swait.ge [sflag:s24], $0x1900  }
0x5c: {  	s9 =	sshrl.u32 s17, $0x3;
	[sflag:s24] =	ssyncset.done $0x0  }
0x5d: {  	s9 =	sadd.s32 s5, s9;
	[sflag:s24] =	ssyncadd.s32 $0xFFFFE700  }
0x5e: {  	[hbm4b:s9+s3] =	stream.linear.scatter [tilespmem:s25], [sflag:$0x7], $0x1900, $0x38;
	[tilespmem:$0x12000] =	vst v63  }
0x5f: {  	_ =	swait.ge [sflag:s31], $0x1900  }
0x60: {  	[sflag:s31] =	ssyncset.done $0x0  }
0x61: {  	s10 =	sadd.s32 $0x100, s8;
	[sflag:s31] =	ssyncadd.s32 $0xFFFFE700  }
0x62: {  	[tilespmem:s20], [sflag:$0x1] =	stream.indirect.gather [hbm4b:s2+s15], $0x80, s10, s15, $0xb8;
	[tilespmem:$0x12000] =	vst v63  }
0x63: {  	s11 =	sadd.s32 $0xFFFFC800, s13;
	_ =	swait.ge [sflag:s24], $0x1900  }
0x64: {  	s9 =	sshrl.u32 s11, $0x3;
	[sflag:s24] =	ssyncset.done $0x0  }
0x65: {  	s9 =	sadd.s32 s5, s9;
	[sflag:s24] =	ssyncadd.s32 $0xFFFFE700  }
0x66: {  	[hbm4b:s9+s3] =	stream.linear.scatter [tilespmem:s26], [sflag:$0x8], $0x1900, $0x38;
	[tilespmem:$0x12000] =	vst v63  }
0x67: {  	_ =	swait.ge [sflag:s0], $0x1900  }
0x68: {  	[sflag:s0] =	ssyncset.done $0x0  }
0x69: {  	s8 =	sadd.s32 $0x180, s8;
	[sflag:s0] =	ssyncadd.s32 $0xFFFFE700  }
0x6a: {  	[tilespmem:s22], [sflag:$0x1] =	stream.indirect.gather [hbm4b:s2+s15], $0x80, s8, s15, $0xb8;
	[tilespmem:$0x12000] =	vst v63  }
0x6b: {  	s17 =	sadd.s32 $0xFFFFE400, s13;
	_ =	swait.ge [sflag:s24], $0x1900  }
0x6c: {  	s8 =	sshrl.u32 s17, $0x3;
	[sflag:s24] =	ssyncset.done $0x0  }
0x6d: {  	s8 =	sadd.s32 s5, s8;
	[sflag:s24] =	ssyncadd.s32 $0xFFFFE700  }
0x6e: {  	[hbm4b:s8+s3] =	stream.linear.scatter [tilespmem:s28], [sflag:$0x9], $0x1900, $0x38;
	[tilespmem:$0x12000] =	vst v63  }
0x6f: {  	_ =	swait.ge [sflag:s1], $0x1900  }
0x70: {  	s11 =	smov.u32 s7;
	s10 =	smov.u32 s14;
	[sflag:s1] =	ssyncset.done $0x0  }
0x71: {  	s9 =	sadd.s32 $0xFFFFFFFF, s7;
	s8 =	sadd.s32 $0xFFFFFFFE, s7;
	[sflag:s1] =	ssyncadd.s32 $0xFFFFE700  }
.LBB2_5:
0x72: {  	s10 =	sshra.s32 s10, $0x2  }
0x73: {  	s17 =	sadd.s32 $0x200, s10  }
0x74: {  	[tilespmem:s23], [sflag:$0x1] =	stream.indirect.gather [hbm4b:s2+s15], $0x80, s17, s15, $0xb8;
	[tilespmem:$0x12000] =	vst v63  }
0x75: {  	_ =	swait.ge [sflag:s24], $0x1900  }
0x76: {  	[sflag:s24] =	ssyncset.done $0x0  }
0x77: {  	s17 =	simm.s32 @!p0 $0x7;
	[sflag:s24] =	ssyncadd.s32 $0xFFFFE700  }
0x78: {  	[hbm4b:s12+s3] =	stream.linear.scatter [tilespmem:s16], [sflag:$0x2], $0x1900, $0x38;
	[tilespmem:$0x12000] =	vst v63  }
0x79: {  	_ =	swait.ge @!p0 [sflag:s17], $0x1900  }
0x7a: {  	[sflag:s17] =	ssyncset.done @!p0 $0x0  }
0x7b: {  	s8 =	sadd.s32 s4, s8;
	[sflag:s17] =	ssyncadd.s32 @!p0 $0xFFFFE700;
	s17 =	sadd.s32 $0x280, s10  }
0x7c: {  	[tilespmem:s25], [sflag:$0x1] =	stream.indirect.gather [hbm4b:s2+s15], $0x80, s17, s15, $0xb8;
	[tilespmem:$0x12000] =	vst v63  }
0x7d: {  	s8 =	smul.u32 $0x380, s8;
	_ =	swait.ge [sflag:s24], $0x1900  }
0x7e: {  	[sflag:s24] =	ssyncset.done $0x0  }
0x7f: {  	s8 =	sadd.s32 s5, s8;
	[sflag:s24] =	ssyncadd.s32 $0xFFFFE700  }
0x80: {  	[hbm4b:s8+s3] =	stream.linear.scatter [tilespmem:s18], [sflag:$0x3], $0x1900, $0x38;
	[tilespmem:$0x12000] =	vst v63  }
0x81: {  	s8 =	simm.s32 @!p0 $0x8  }
0x82: {  	_ =	swait.ge @!p0 [sflag:s8], $0x1900  }
0x83: {  	[sflag:s8] =	ssyncset.done @!p0 $0x0  }
0x84: {  	s9 =	sadd.s32 s4, s9;
	s17 =	sadd.s32 $0x300, s10;
	[sflag:s8] =	ssyncadd.s32 @!p0 $0xFFFFE700  }
0x85: {  	[tilespmem:s26], [sflag:$0x1] =	stream.indirect.gather [hbm4b:s2+s15], $0x80, s17, s15, $0xb8;
	[tilespmem:$0x12000] =	vst v63  }
0x86: {  	s8 =	smul.u32 $0x380, s9;
	_ =	swait.ge [sflag:s24], $0x1900  }
0x87: {  	[sflag:s24] =	ssyncset.done $0x0  }
0x88: {  	s8 =	sadd.s32 s5, s8;
	[sflag:s24] =	ssyncadd.s32 $0xFFFFE700  }
0x89: {  	[hbm4b:s8+s3] =	stream.linear.scatter [tilespmem:s20], [sflag:$0x4], $0x1900, $0x38;
	[tilespmem:$0x12000] =	vst v63  }
0x8a: {  	s8 =	simm.s32 @!p0 $0x9  }
0x8b: {  	_ =	swait.ge @!p0 [sflag:s8], $0x1900  }
0x8c: {  	s14 =	sadd.s32 $0x1000, s14;
	[sflag:s8] =	ssyncset.done @!p0 $0x0  }
0x8d: {  	s10 =	sadd.s32 $0x380, s10;
	[sflag:s8] =	ssyncadd.s32 @!p0 $0xFFFFE700;
	p0 =	sne.s32 s14, $0x10000  }
0x8e: {  	[tilespmem:s28], [sflag:$0x1] =	stream.indirect.gather [hbm4b:s2+s15], $0x80, s10, s15, $0xb8;
	[tilespmem:$0x12000] =	vst v63  }
.Ltmp3:
0x8f: {  	s17 =	sadd.s32 s4, s11;
	(pc) =	sbr.rel @!p0 .LBB2_6-.Ltmp3, $4  }
0x90: {  	s8 =	smul.u32 $0x380, s17;
	_ =	swait.ge [sflag:s24], $0x1900  }
0x91: {  	s13 =	sadd.s32 $0xE000, s13;
	s7 =	sadd.s32 $0x8, s7;
	[sflag:s24] =	ssyncset.done $0x0  }
0x92: {  	s12 =	sadd.s32 $0x1C00, s12;
	s8 =	sadd.s32 s5, s8;
	[sflag:s24] =	ssyncadd.s32 $0xFFFFE700  }
0x93: {  	[hbm4b:s8+s3] =	stream.linear.scatter [tilespmem:s22], [sflag:$0x5], $0x1900, $0x38;
	[tilespmem:$0x12000] =	vst v63  }
.LBB2_2:
0x94: {  	p0 =	seq.s32 s14, $0x0  }
.Ltmp4:
0x95: {  	_ = 	snop;
	(pc) =	sbr.rel @!p0 .LBB2_4-.Ltmp4, $1  }
0x96: {  	_ =	sdelay $0x3  }
.Ltmp5:
0x97: {  	(pc) =	sbr.rel .LBB2_5-.Ltmp5, $3  }
0x98: {  	_ =	sdelay $0x1  }
0x99: {  	s9 =	simm.s32 $0x2  }
0x9a: {  	s8 =	simm.s32 $0x1;
	s11 =	simm.s32 $0x3;
	s10 =	simm.s32 $0x0  }
.LBB2_7:
0x9b: {  	_ =	sfence.sel $0x180000  }
0x9c: {  	[bflag:$0x0] =	sbarrier.arrive $0xFFFF  }
0x9d: {  	_ =	strace $0x90000047  }
0x9e: {  	s0 =	stileid.u32;
	[bflag:$0x2] =	sbarrier.arrive $0xFFFF  }
0x9f: {  	p0 =	sne.s32 s0, $0x0;
	s0 =	rddreg [dreg:$0x3]  }
0xa0: {  	s0 =	sadd.s32 @!p0 $0x100000, s0  }
0xa1: {  	[sflag:s0] =	ssyncadd.tile.s32 @!p0 $0x1;
	_ =	shalt  }
.Lfunc_end2:
_tile_overlayer_lowered:
.L_overlay_start_2:
0xa2: {  	(tag) =	ssettag $0x2  }
0xa3: {  	s0 =	rddreg [dreg:$0x0];
	s2 =	stileid.u32  }
0xa4: {  	s1 =	rddreg [dreg:$0x1];
	p0 =	sne.s32 s2, $0x0  }
0xa5: {  	s3 =	rddreg [dreg:$0x2];
	[bflag:$0x3] =	sbarrier.arrive $0xFFFF;
	s2 =	simm.s32 @!p0 $0x1C0A  }
0xa6: {  	[timem:s3], [sflag:s2] =	dma.local @!p0 [hbm:s0], s1  }
0xa7: {  	s0 =	simm.s32 @!p0 $0xA  }
0xa8: {  	_ =	swait.ge @!p0 [sflag:s0], s1  }
0xa9: {  	s1 =	ssub.s32 @!p0 $0x0, s1;
	[sflag:s0] =	ssyncset.done @!p0 $0x0  }
0xaa: {  	[sflag:s0] =	ssyncadd.s32 @!p0 s1  }
0xab: {  	[bflag:$0x3] =	sbarrier.arrive $0xFFFF  }
0xac: {  	_ =	shalt  }

</sc_bundles>
